<compile_context>
chip_gen: v7x
topology: tpu7x:2x2x1
jax: 0.10.2.dev20260603
libtpu: 0.0.44.dev20260713+nightly
codegen_flags: <defaults>
</compile_context>

<pallas_src>
import functools

import jax
import jax.numpy as jnp
from jax import lax
from jax.experimental import pallas as pl
from jax.experimental.pallas import tpu as pltpu
from jax.experimental.pallas import tpu_sc as plsc

_NC = 2
_NS = 16
_NW = _NC * _NS
_LANES = 16
_CH = 16
_UNROLL = 8
_BATCH = 4


def _sc_body(x_hbm, emb_hbm, out_hbm, xv0, xv1, ev0, ev1, sx0, sx1, se0, se1, so0, so1):
    c = lax.axis_index("c")
    s = lax.axis_index("s")
    wid = s * _NC + c
    seq = x_hbm.shape[0] // _BATCH
    seq_per_w = seq // _NW
    nchunks = seq_per_w // _CH
    nsub = nchunks * _BATCH
    srow0 = wid * seq_per_w
    xv = (xv0, xv1)
    ev = (ev0, ev1)
    sx = (sx0, sx1)
    se = (se0, se1)
    so = (so0, so1)

    def start_emb(j, p):
        pltpu.make_async_copy(
            emb_hbm.at[pl.ds(srow0 + j * _CH, _CH)], ev[p], se[p]).start()

    def wait_emb(p):
        pltpu.make_async_copy(
            emb_hbm.at[pl.ds(srow0, _CH)], ev[p], se[p]).wait()

    def start_x(j, b, p):
        r = b * seq + srow0 + j * _CH
        pltpu.make_async_copy(x_hbm.at[pl.ds(r, _CH)], xv[p], sx[p]).start()

    def wait_x(p):
        pltpu.make_async_copy(x_hbm.at[pl.ds(srow0, _CH)], xv[p], sx[p]).wait()

    def start_out(j, b, p):
        r = b * seq + srow0 + j * _CH
        pltpu.make_async_copy(xv[p], out_hbm.at[pl.ds(r, _CH)], so[p]).start()

    def wait_out(p):
        pltpu.make_async_copy(xv[p], out_hbm.at[pl.ds(srow0, _CH)], so[p]).wait()

    start_emb(0, 0)
    start_x(0, 0, 0)

    def body(jj, carry):
        for jp in (0, 1):
            j = 2 * jj + jp

            @pl.when(j + 1 < nchunks)
            def _():
                start_emb(j + 1, 1 - jp)

            wait_emb(jp)

            for b in range(_BATCH):
                p = b % 2
                q = 1 - p
                t = j * _BATCH + b

                @pl.when(jnp.logical_and(t >= 1, t + 1 < nsub))
                def _():
                    wait_out(q)

                nb = (b + 1) % _BATCH
                nj_off = 1 if b == _BATCH - 1 else 0

                @pl.when(t + 1 < nsub)
                def _():
                    start_x(j + nj_off, nb, q)

                wait_x(p)

                def row_body(r, acc):
                    @plsc.parallel_loop(0, 1024 // _LANES, 1, unroll=_UNROLL)
                    def add_body(g):
                        o = g * _LANES
                        plsc.addupdate(
                            xv[p].at[r, pl.ds(o, _LANES)],
                            ev[jp][r, pl.ds(o, _LANES)])
                    return acc

                lax.fori_loop(0, _CH, row_body, 0)
                start_out(j, b, p)
        return carry

    lax.fori_loop(0, nchunks // 2, body, 0)
    wait_out(0)
    wait_out(1)


def kernel(x, emb_weight):
    batch, seq_len, d_model = x.shape
    x2 = x.reshape(batch * seq_len, d_model)
    mesh = plsc.VectorSubcoreMesh(core_axis_name="c", subcore_axis_name="s")
    k = functools.partial(
        pl.kernel,
        mesh=mesh,
        out_type=jax.ShapeDtypeStruct((batch * seq_len, d_model), x.dtype),
        scratch_types=[
            pltpu.VMEM((_CH, d_model), jnp.float32),
            pltpu.VMEM((_CH, d_model), jnp.float32),
            pltpu.VMEM((_CH, d_model), jnp.float32),
            pltpu.VMEM((_CH, d_model), jnp.float32),
            pltpu.SemaphoreType.DMA,
            pltpu.SemaphoreType.DMA,
            pltpu.SemaphoreType.DMA,
            pltpu.SemaphoreType.DMA,
            pltpu.SemaphoreType.DMA,
            pltpu.SemaphoreType.DMA,
        ],
        compiler_params=pltpu.CompilerParams(use_tc_tiling_on_sc=True),
    )(_sc_body)
    return k(x2, emb_weight).reshape(batch, seq_len, d_model)

# --- scband reference (transcript-rebuilt; emitter-appended) ---
"""Pipeline reference for scband-absolute-positional-embedding-9792525435039 (READ-ONLY COPY).

The authoritative reference and input builder live on the scoring server;
editing this copy changes nothing except your own understanding.
"""

import jax, jax.numpy as jnp
import numpy as np

D_MODEL = 1024
MAX_SEQ_LEN = 8192
BATCH = 4
SEQ_LEN = 4096

def setup_inputs(seed: int = 0) -> dict:
    key = jax.random.key(seed)
    k1, k2 = jax.random.split(key)
    x = jax.random.normal(k1, (BATCH, SEQ_LEN, D_MODEL), dtype=jnp.float32)
    emb_weight = jax.random.normal(k2, (MAX_SEQ_LEN, D_MODEL), dtype=jnp.float32) * 0.02
    return {"x": x, "emb_weight": emb_weight}

def reference(x, emb_weight):
    batch_size, seq_len, _ = x.shape
    positions = jnp.arange(seq_len)
    positions = jnp.broadcast_to(positions[None, :], (batch_size, seq_len))
    pos_emb = jnp.take(emb_weight, positions, axis=0)
    return x + pos_emb

if __name__ == "__main__":
    import jax
    _d = setup_inputs()
    print(jax.jit(kernel)(*tuple(_d.values())))

</pallas_src>

<mosaic_0001>
#map = affine_map<(d0, d1) -> (0, 0)>
module attributes {stable_mosaic.version = 14 : i64} {
  func.func @_sc_body(%arg0: i32, %arg1: i32, %arg2: memref<16384x1024xf32, #tpu.memory_space<hbm>>, %arg3: memref<8192x1024xf32, #tpu.memory_space<hbm>>, %arg4: memref<16384x1024xf32, #tpu.memory_space<hbm>>, %arg5: memref<16x1024xf32, #tpu.memory_space<vmem>>, %arg6: memref<16x1024xf32, #tpu.memory_space<vmem>>, %arg7: memref<16x1024xf32, #tpu.memory_space<vmem>>, %arg8: memref<16x1024xf32, #tpu.memory_space<vmem>>, %arg9: memref<!tpu.dma_semaphore, #tpu.memory_space<semaphore_mem>>, %arg10: memref<!tpu.dma_semaphore, #tpu.memory_space<semaphore_mem>>, %arg11: memref<!tpu.dma_semaphore, #tpu.memory_space<semaphore_mem>>, %arg12: memref<!tpu.dma_semaphore, #tpu.memory_space<semaphore_mem>>, %arg13: memref<!tpu.dma_semaphore, #tpu.memory_space<semaphore_mem>>, %arg14: memref<!tpu.dma_semaphore, #tpu.memory_space<semaphore_mem>>) attributes {dimension_semantics = [#tpu.dimension_semantics<core_parallel>, #tpu.dimension_semantics<subcore_parallel>], iteration_bounds = array<i64: 2, 16>, scalar_prefetch = 0 : i64, scratch_operands = 10 : i64, tpu.core_type = #tpu.core_type<sc_vector_subcore>, window_params = [{transform_indices = #map}, {transform_indices = #map}, {transform_indices = #map}]} {
    %mul3A = arith.constant 2 : i32
    %mul3A_0 = arith.muli %arg1, %mul3A : i32
    %add3A = arith.addi %mul3A_0, %arg0 : i32
    %mul3A_1 = arith.constant 128 : i32
    %mul3A_2 = arith.muli %add3A, %mul3A_1 : i32
    %add3A_3 = arith.constant 0 : i32
    %add3A_4 = arith.addi %mul3A_2, %add3A_3 : i32
    %dma_start3A = arith.constant 0 : i32
    %dma_start3A_5 = tpu.memref_slice %arg3[%add3A_4, %dma_start3A] : memref<8192x1024xf32, #tpu.memory_space<hbm>> -> memref<16x1024xf32, #tpu.memory_space<hbm>>
    %dma_start3A_6 = arith.constant 0 : i32
    %dma_start3A_7 = tpu.memref_slice %arg3[%add3A_4, %dma_start3A_6] : memref<8192x1024xf32, #tpu.memory_space<hbm>> -> memref<16x1024xf32, #tpu.memory_space<hbm>>
    tpu.enqueue_dma source(%dma_start3A_7 : memref<16x1024xf32, #tpu.memory_space<hbm>>) target(%arg7 : memref<16x1024xf32, #tpu.memory_space<vmem>>) target_semaphore(%arg11 : memref<!tpu.dma_semaphore, #tpu.memory_space<semaphore_mem>>)
    %add3A_8 = arith.constant 0 : i32
    %add3A_9 = arith.addi %add3A_8, %mul3A_2 : i32
    %add3A_10 = arith.constant 0 : i32
    %add3A_11 = arith.addi %add3A_9, %add3A_10 : i32
    %dma_start3A_12 = arith.constant 0 : i32
    %dma_start3A_13 = tpu.memref_slice %arg2[%add3A_11, %dma_start3A_12] : memref<16384x1024xf32, #tpu.memory_space<hbm>> -> memref<16x1024xf32, #tpu.memory_space<hbm>>
    %dma_start3A_14 = arith.constant 0 : i32
    %dma_start3A_15 = tpu.memref_slice %arg2[%add3A_11, %dma_start3A_14] : memref<16384x1024xf32, #tpu.memory_space<hbm>> -> memref<16x1024xf32, #tpu.memory_space<hbm>>
    tpu.enqueue_dma source(%dma_start3A_15 : memref<16x1024xf32, #tpu.memory_space<hbm>>) target(%arg5 : memref<16x1024xf32, #tpu.memory_space<vmem>>) target_semaphore(%arg9 : memref<!tpu.dma_semaphore, #tpu.memory_space<semaphore_mem>>)
    %scan3A = arith.constant 0 : i32
    %scan3A_16 = arith.constant 0 : i32
    %scan3A_17 = arith.constant 4 : i32
    %scan3A_18 = arith.addi %scan3A_16, %scan3A_17 : i32
    %scan3A_19 = arith.constant 1 : i32
    scf.for %scan3A_28 = %scan3A_16 to %scan3A_18 step %scan3A_19  : i32 {
      %mul3A_29 = arith.constant 2 : i32
      %mul3A_30 = arith.muli %mul3A_29, %scan3A_28 : i32
      %add3A_31 = arith.constant 0 : i32
      %add3A_32 = arith.addi %mul3A_30, %add3A_31 : i32
      %add3A_33 = arith.constant 1 : i32
      %add3A_34 = arith.addi %add3A_32, %add3A_33 : i32
      %lt3A = arith.constant 8 : i32
      %lt3A_35 = arith.cmpi slt, %add3A_34, %lt3A : i32
      %convert_element_type3A = arith.extui %lt3A_35 : i1 to i32
      %cond3A = arith.constant 0 : i32
      %cond3A_36 = arith.cmpi ne, %convert_element_type3A, %cond3A : i32
      scf.if %cond3A_36 {
        %add3A_374 = arith.constant 1 : i32
        %add3A_375 = arith.addi %add3A_32, %add3A_374 : i32
        %mul3A_376 = arith.constant 16 : i32
        %mul3A_377 = arith.muli %add3A_375, %mul3A_376 : i32
        %add3A_378 = arith.addi %mul3A_2, %mul3A_377 : i32
        %dma_start3A_379 = arith.constant 0 : i32
        %dma_start3A_380 = tpu.memref_slice %arg3[%add3A_378, %dma_start3A_379] : memref<8192x1024xf32, #tpu.memory_space<hbm>> -> memref<16x1024xf32, #tpu.memory_space<hbm>>
        %dma_start3A_381 = arith.constant 0 : i32
        %dma_start3A_382 = tpu.memref_slice %arg3[%add3A_378, %dma_start3A_381] : memref<8192x1024xf32, #tpu.memory_space<hbm>> -> memref<16x1024xf32, #tpu.memory_space<hbm>>
        tpu.enqueue_dma source(%dma_start3A_382 : memref<16x1024xf32, #tpu.memory_space<hbm>>) target(%arg8 : memref<16x1024xf32, #tpu.memory_space<vmem>>) target_semaphore(%arg12 : memref<!tpu.dma_semaphore, #tpu.memory_space<semaphore_mem>>)
      } else {
      }
      %dma_wait3A_37 = arith.constant 0 : i32
      %dma_wait3A_38 = tpu.memref_slice %arg3[%mul3A_2, %dma_wait3A_37] : memref<8192x1024xf32, #tpu.memory_space<hbm>> -> memref<16x1024xf32, #tpu.memory_space<hbm>>
      %dma_wait3A_39 = arith.constant 0 : i32
      %dma_wait3A_40 = tpu.memref_slice %arg3[%mul3A_2, %dma_wait3A_39] : memref<8192x1024xf32, #tpu.memory_space<hbm>> -> memref<16x1024xf32, #tpu.memory_space<hbm>>
      tpu.wait_dma2 semaphore(%arg11 : memref<!tpu.dma_semaphore, #tpu.memory_space<semaphore_mem>>) src(%dma_wait3A_40 : memref<16x1024xf32, #tpu.memory_space<hbm>>) dst(%arg7 : memref<16x1024xf32, #tpu.memory_space<vmem>>)
      %mul3A_41 = arith.constant 4 : i32
      %mul3A_42 = arith.muli %add3A_32, %mul3A_41 : i32
      %add3A_43 = arith.constant 0 : i32
      %add3A_44 = arith.addi %mul3A_42, %add3A_43 : i32
      %ge3A = arith.constant 1 : i32
      %ge3A_45 = arith.cmpi sge, %add3A_44, %ge3A : i32
      %add3A_46 = arith.constant 1 : i32
      %add3A_47 = arith.addi %add3A_44, %add3A_46 : i32
      %lt3A_48 = arith.constant 32 : i32
      %lt3A_49 = arith.cmpi slt, %add3A_47, %lt3A_48 : i32
      %and3A = arith.andi %ge3A_45, %lt3A_49 : i1
      %convert_element_type3A_50 = arith.extui %and3A : i1 to i32
      %cond3A_51 = arith.constant 0 : i32
      %cond3A_52 = arith.cmpi ne, %convert_element_type3A_50, %cond3A_51 : i32
      scf.if %cond3A_52 {
        %dma_wait3A_374 = arith.constant 0 : i32
        %dma_wait3A_375 = tpu.memref_slice %arg4[%mul3A_2, %dma_wait3A_374] : memref<16384x1024xf32, #tpu.memory_space<hbm>> -> memref<16x1024xf32, #tpu.memory_space<hbm>>
        %dma_wait3A_376 = arith.constant 0 : i32
        %dma_wait3A_377 = tpu.memref_slice %arg4[%mul3A_2, %dma_wait3A_376] : memref<16384x1024xf32, #tpu.memory_space<hbm>> -> memref<16x1024xf32, #tpu.memory_space<hbm>>
        tpu.wait_dma2 semaphore(%arg14 : memref<!tpu.dma_semaphore, #tpu.memory_space<semaphore_mem>>) src(%arg6 : memref<16x1024xf32, #tpu.memory_space<vmem>>) dst(%dma_wait3A_377 : memref<16x1024xf32, #tpu.memory_space<hbm>>)
      } else {
      }
      %add3A_53 = arith.constant 1 : i32
      %add3A_54 = arith.addi %add3A_44, %add3A_53 : i32
      %lt3A_55 = arith.constant 32 : i32
      %lt3A_56 = arith.cmpi slt, %add3A_54, %lt3A_55 : i32
      %convert_element_type3A_57 = arith.extui %lt3A_56 : i1 to i32
      %cond3A_58 = arith.constant 0 : i32
      %cond3A_59 = arith.cmpi ne, %convert_element_type3A_57, %cond3A_58 : i32
      scf.if %cond3A_59 {
        %add3A_374 = arith.constant 0 : i32
        %add3A_375 = arith.addi %add3A_32, %add3A_374 : i32
        %add3A_376 = arith.constant 4096 : i32
        %add3A_377 = arith.addi %add3A_376, %mul3A_2 : i32
        %mul3A_378 = arith.constant 16 : i32
        %mul3A_379 = arith.muli %add3A_375, %mul3A_378 : i32
        %add3A_380 = arith.addi %add3A_377, %mul3A_379 : i32
        %dma_start3A_381 = arith.constant 0 : i32
        %dma_start3A_382 = tpu.memref_slice %arg2[%add3A_380, %dma_start3A_381] : memref<16384x1024xf32, #tpu.memory_space<hbm>> -> memref<16x1024xf32, #tpu.memory_space<hbm>>
        %dma_start3A_383 = arith.constant 0 : i32
        %dma_start3A_384 = tpu.memref_slice %arg2[%add3A_380, %dma_start3A_383] : memref<16384x1024xf32, #tpu.memory_space<hbm>> -> memref<16x1024xf32, #tpu.memory_space<hbm>>
        tpu.enqueue_dma source(%dma_start3A_384 : memref<16x1024xf32, #tpu.memory_space<hbm>>) target(%arg6 : memref<16x1024xf32, #tpu.memory_space<vmem>>) target_semaphore(%arg10 : memref<!tpu.dma_semaphore, #tpu.memory_space<semaphore_mem>>)
      } else {
      }
      %dma_wait3A_60 = arith.constant 0 : i32
      %dma_wait3A_61 = tpu.memref_slice %arg2[%mul3A_2, %dma_wait3A_60] : memref<16384x1024xf32, #tpu.memory_space<hbm>> -> memref<16x1024xf32, #tpu.memory_space<hbm>>
      %dma_wait3A_62 = arith.constant 0 : i32
      %dma_wait3A_63 = tpu.memref_slice %arg2[%mul3A_2, %dma_wait3A_62] : memref<16384x1024xf32, #tpu.memory_space<hbm>> -> memref<16x1024xf32, #tpu.memory_space<hbm>>
      tpu.wait_dma2 semaphore(%arg9 : memref<!tpu.dma_semaphore, #tpu.memory_space<semaphore_mem>>) src(%dma_wait3A_63 : memref<16x1024xf32, #tpu.memory_space<hbm>>) dst(%arg5 : memref<16x1024xf32, #tpu.memory_space<vmem>>)
      %scan3A_64 = arith.constant 0 : i32
      %scan3A_65 = arith.constant 0 : i32
      %scan3A_66 = arith.constant 16 : i32
      %scan3A_67 = arith.addi %scan3A_65, %scan3A_66 : i32
      %scan3A_68 = arith.constant 1 : i32
      scf.for %scan3A_374 = %scan3A_65 to %scan3A_67 step %scan3A_68  : i32 {
        %parallel_loop3A = arith.constant 0 : i32
        %parallel_loop3A_375 = arith.constant 64 : i32
        %parallel_loop3A_376 = arith.constant 1 : i32
        scf.for %parallel_loop3A_377 = %parallel_loop3A to %parallel_loop3A_375 step %parallel_loop3A_376  : i32 {
          %parallel_loop3A_378 = arith.constant 16 : i32
          %parallel_loop3A_379 = arith.muli %parallel_loop3A_377, %parallel_loop3A_378 : i32
          %parallel_loop3A_380 = arith.index_cast %scan3A_374 : i32 to index
          %parallel_loop3A_381 = arith.index_cast %parallel_loop3A_379 : i32 to index
          %parallel_loop3A_382 = tpu.vector_load %arg7[%parallel_loop3A_380, %parallel_loop3A_381] {strides = array<i32>} : memref<16x1024xf32, #tpu.memory_space<vmem>>, vector<1x16xf32>,
          %parallel_loop3A_383 = vector.shape_cast %parallel_loop3A_382 : vector<1x16xf32> to vector<16xf32>
          %parallel_loop3A_384 = arith.index_cast %scan3A_374 : i32 to index
          %parallel_loop3A_385 = arith.index_cast %parallel_loop3A_379 : i32 to index
          %parallel_loop3A_386 = tpu.vector_load %arg5[%parallel_loop3A_384, %parallel_loop3A_385] {strides = array<i32>} : memref<16x1024xf32, #tpu.memory_space<vmem>>, vector<1x16xf32>,
          %parallel_loop3A_387 = vector.shape_cast %parallel_loop3A_386 : vector<1x16xf32> to vector<16xf32>
          %parallel_loop3A_388 = vector.shape_cast %parallel_loop3A_383 : vector<16xf32> to vector<1x16xf32>
          tpu.vector_store %arg5[%parallel_loop3A_384, %parallel_loop3A_385], %parallel_loop3A_388 {add = true, strides = array<i32>} : memref<16x1024xf32, #tpu.memory_space<vmem>>, vector<1x16xf32>,
        } {sc.loop_unroll_factor = 8 : i64, sc.parallel_access}
      }
      %scan3A_69 = arith.constant 16 : i32
      %add3A_70 = arith.constant 0 : i32
      %add3A_71 = arith.addi %add3A_70, %mul3A_2 : i32
      %mul3A_72 = arith.constant 16 : i32
      %mul3A_73 = arith.muli %add3A_32, %mul3A_72 : i32
      %add3A_74 = arith.addi %add3A_71, %mul3A_73 : i32
      %dma_start3A_75 = arith.constant 0 : i32
      %dma_start3A_76 = tpu.memref_slice %arg4[%add3A_74, %dma_start3A_75] : memref<16384x1024xf32, #tpu.memory_space<hbm>> -> memref<16x1024xf32, #tpu.memory_space<hbm>>
      %dma_start3A_77 = arith.constant 0 : i32
      %dma_start3A_78 = tpu.memref_slice %arg4[%add3A_74, %dma_start3A_77] : memref<16384x1024xf32, #tpu.memory_space<hbm>> -> memref<16x1024xf32, #tpu.memory_space<hbm>>
      tpu.enqueue_dma source(%arg5 : memref<16x1024xf32, #tpu.memory_space<vmem>>) target(%dma_start3A_78 : memref<16x1024xf32, #tpu.memory_space<hbm>>) target_semaphore(%arg13 : memref<!tpu.dma_semaphore, #tpu.memory_space<semaphore_mem>>)
      %mul3A_79 = arith.constant 4 : i32
      %mul3A_80 = arith.muli %add3A_32, %mul3A_79 : i32
      %add3A_81 = arith.constant 1 : i32
      %add3A_82 = arith.addi %mul3A_80, %add3A_81 : i32
      %ge3A_83 = arith.constant 1 : i32
      %ge3A_84 = arith.cmpi sge, %add3A_82, %ge3A_83 : i32
      %add3A_85 = arith.constant 1 : i32
      %add3A_86 = arith.addi %add3A_82, %add3A_85 : i32
      %lt3A_87 = arith.constant 32 : i32
      %lt3A_88 = arith.cmpi slt, %add3A_86, %lt3A_87 : i32
      %and3A_89 = arith.andi %ge3A_84, %lt3A_88 : i1
      %convert_element_type3A_90 = arith.extui %and3A_89 : i1 to i32
      %cond3A_91 = arith.constant 0 : i32
      %cond3A_92 = arith.cmpi ne, %convert_element_type3A_90, %cond3A_91 : i32
      scf.if %cond3A_92 {
        %dma_wait3A_374 = arith.constant 0 : i32
        %dma_wait3A_375 = tpu.memref_slice %arg4[%mul3A_2, %dma_wait3A_374] : memref<16384x1024xf32, #tpu.memory_space<hbm>> -> memref<16x1024xf32, #tpu.memory_space<hbm>>
        %dma_wait3A_376 = arith.constant 0 : i32
        %dma_wait3A_377 = tpu.memref_slice %arg4[%mul3A_2, %dma_wait3A_376] : memref<16384x1024xf32, #tpu.memory_space<hbm>> -> memref<16x1024xf32, #tpu.memory_space<hbm>>
        tpu.wait_dma2 semaphore(%arg13 : memref<!tpu.dma_semaphore, #tpu.memory_space<semaphore_mem>>) src(%arg5 : memref<16x1024xf32, #tpu.memory_space<vmem>>) dst(%dma_wait3A_377 : memref<16x1024xf32, #tpu.memory_space<hbm>>)
      } else {
      }
      %add3A_93 = arith.constant 1 : i32
      %add3A_94 = arith.addi %add3A_82, %add3A_93 : i32
      %lt3A_95 = arith.constant 32 : i32
      %lt3A_96 = arith.cmpi slt, %add3A_94, %lt3A_95 : i32
      %convert_element_type3A_97 = arith.extui %lt3A_96 : i1 to i32
      %cond3A_98 = arith.constant 0 : i32
      %cond3A_99 = arith.cmpi ne, %convert_element_type3A_97, %cond3A_98 : i32
      scf.if %cond3A_99 {
        %add3A_374 = arith.constant 0 : i32
        %add3A_375 = arith.addi %add3A_32, %add3A_374 : i32
        %add3A_376 = arith.constant 8192 : i32
        %add3A_377 = arith.addi %add3A_376, %mul3A_2 : i32
        %mul3A_378 = arith.constant 16 : i32
        %mul3A_379 = arith.muli %add3A_375, %mul3A_378 : i32
        %add3A_380 = arith.addi %add3A_377, %mul3A_379 : i32
        %dma_start3A_381 = arith.constant 0 : i32
        %dma_start3A_382 = tpu.memref_slice %arg2[%add3A_380, %dma_start3A_381] : memref<16384x1024xf32, #tpu.memory_space<hbm>> -> memref<16x1024xf32, #tpu.memory_space<hbm>>
        %dma_start3A_383 = arith.constant 0 : i32
        %dma_start3A_384 = tpu.memref_slice %arg2[%add3A_380, %dma_start3A_383] : memref<16384x1024xf32, #tpu.memory_space<hbm>> -> memref<16x1024xf32, #tpu.memory_space<hbm>>
        tpu.enqueue_dma source(%dma_start3A_384 : memref<16x1024xf32, #tpu.memory_space<hbm>>) target(%arg5 : memref<16x1024xf32, #tpu.memory_space<vmem>>) target_semaphore(%arg9 : memref<!tpu.dma_semaphore, #tpu.memory_space<semaphore_mem>>)
      } else {
      }
      %dma_wait3A_100 = arith.constant 0 : i32
      %dma_wait3A_101 = tpu.memref_slice %arg2[%mul3A_2, %dma_wait3A_100] : memref<16384x1024xf32, #tpu.memory_space<hbm>> -> memref<16x1024xf32, #tpu.memory_space<hbm>>
      %dma_wait3A_102 = arith.constant 0 : i32
      %dma_wait3A_103 = tpu.memref_slice %arg2[%mul3A_2, %dma_wait3A_102] : memref<16384x1024xf32, #tpu.memory_space<hbm>> -> memref<16x1024xf32, #tpu.memory_space<hbm>>
      tpu.wait_dma2 semaphore(%arg10 : memref<!tpu.dma_semaphore, #tpu.memory_space<semaphore_mem>>) src(%dma_wait3A_103 : memref<16x1024xf32, #tpu.memory_space<hbm>>) dst(%arg6 : memref<16x1024xf32, #tpu.memory_space<vmem>>)
      %scan3A_104 = arith.constant 0 : i32
      %scan3A_105 = arith.constant 0 : i32
      %scan3A_106 = arith.constant 16 : i32
      %scan3A_107 = arith.addi %scan3A_105, %scan3A_106 : i32
      %scan3A_108 = arith.constant 1 : i32
      scf.for %scan3A_374 = %scan3A_105 to %scan3A_107 step %scan3A_108  : i32 {
        %parallel_loop3A = arith.constant 0 : i32
        %parallel_loop3A_375 = arith.constant 64 : i32
        %parallel_loop3A_376 = arith.constant 1 : i32
        scf.for %parallel_loop3A_377 = %parallel_loop3A to %parallel_loop3A_375 step %parallel_loop3A_376  : i32 {
          %parallel_loop3A_378 = arith.constant 16 : i32
          %parallel_loop3A_379 = arith.muli %parallel_loop3A_377, %parallel_loop3A_378 : i32
          %parallel_loop3A_380 = arith.index_cast %scan3A_374 : i32 to index
          %parallel_loop3A_381 = arith.index_cast %parallel_loop3A_379 : i32 to index
          %parallel_loop3A_382 = tpu.vector_load %arg7[%parallel_loop3A_380, %parallel_loop3A_381] {strides = array<i32>} : memref<16x1024xf32, #tpu.memory_space<vmem>>, vector<1x16xf32>,
          %parallel_loop3A_383 = vector.shape_cast %parallel_loop3A_382 : vector<1x16xf32> to vector<16xf32>
          %parallel_loop3A_384 = arith.index_cast %scan3A_374 : i32 to index
          %parallel_loop3A_385 = arith.index_cast %parallel_loop3A_379 : i32 to index
          %parallel_loop3A_386 = tpu.vector_load %arg6[%parallel_loop3A_384, %parallel_loop3A_385] {strides = array<i32>} : memref<16x1024xf32, #tpu.memory_space<vmem>>, vector<1x16xf32>,
          %parallel_loop3A_387 = vector.shape_cast %parallel_loop3A_386 : vector<1x16xf32> to vector<16xf32>
          %parallel_loop3A_388 = vector.shape_cast %parallel_loop3A_383 : vector<16xf32> to vector<1x16xf32>
          tpu.vector_store %arg6[%parallel_loop3A_384, %parallel_loop3A_385], %parallel_loop3A_388 {add = true, strides = array<i32>} : memref<16x1024xf32, #tpu.memory_space<vmem>>, vector<1x16xf32>,
        } {sc.loop_unroll_factor = 8 : i64, sc.parallel_access}
      }
      %scan3A_109 = arith.constant 16 : i32
      %add3A_110 = arith.constant 4096 : i32
      %add3A_111 = arith.addi %add3A_110, %mul3A_2 : i32
      %mul3A_112 = arith.constant 16 : i32
      %mul3A_113 = arith.muli %add3A_32, %mul3A_112 : i32
      %add3A_114 = arith.addi %add3A_111, %mul3A_113 : i32
      %dma_start3A_115 = arith.constant 0 : i32
      %dma_start3A_116 = tpu.memref_slice %arg4[%add3A_114, %dma_start3A_115] : memref<16384x1024xf32, #tpu.memory_space<hbm>> -> memref<16x1024xf32, #tpu.memory_space<hbm>>
      %dma_start3A_117 = arith.constant 0 : i32
      %dma_start3A_118 = tpu.memref_slice %arg4[%add3A_114, %dma_start3A_117] : memref<16384x1024xf32, #tpu.memory_space<hbm>> -> memref<16x1024xf32, #tpu.memory_space<hbm>>
      tpu.enqueue_dma source(%arg6 : memref<16x1024xf32, #tpu.memory_space<vmem>>) target(%dma_start3A_118 : memref<16x1024xf32, #tpu.memory_space<hbm>>) target_semaphore(%arg14 : memref<!tpu.dma_semaphore, #tpu.memory_space<semaphore_mem>>)
      %mul3A_119 = arith.constant 4 : i32
      %mul3A_120 = arith.muli %add3A_32, %mul3A_119 : i32
      %add3A_121 = arith.constant 2 : i32
      %add3A_122 = arith.addi %mul3A_120, %add3A_121 : i32
      %ge3A_123 = arith.constant 1 : i32
      %ge3A_124 = arith.cmpi sge, %add3A_122, %ge3A_123 : i32
      %add3A_125 = arith.constant 1 : i32
      %add3A_126 = arith.addi %add3A_122, %add3A_125 : i32
      %lt3A_127 = arith.constant 32 : i32
      %lt3A_128 = arith.cmpi slt, %add3A_126, %lt3A_127 : i32
      %and3A_129 = arith.andi %ge3A_124, %lt3A_128 : i1
      %convert_element_type3A_130 = arith.extui %and3A_129 : i1 to i32
      %cond3A_131 = arith.constant 0 : i32
      %cond3A_132 = arith.cmpi ne, %convert_element_type3A_130, %cond3A_131 : i32
      scf.if %cond3A_132 {
        %dma_wait3A_374 = arith.constant 0 : i32
        %dma_wait3A_375 = tpu.memref_slice %arg4[%mul3A_2, %dma_wait3A_374] : memref<16384x1024xf32, #tpu.memory_space<hbm>> -> memref<16x1024xf32, #tpu.memory_space<hbm>>
        %dma_wait3A_376 = arith.constant 0 : i32
        %dma_wait3A_377 = tpu.memref_slice %arg4[%mul3A_2, %dma_wait3A_376] : memref<16384x1024xf32, #tpu.memory_space<hbm>> -> memref<16x1024xf32, #tpu.memory_space<hbm>>
        tpu.wait_dma2 semaphore(%arg14 : memref<!tpu.dma_semaphore, #tpu.memory_space<semaphore_mem>>) src(%arg6 : memref<16x1024xf32, #tpu.memory_space<vmem>>) dst(%dma_wait3A_377 : memref<16x1024xf32, #tpu.memory_space<hbm>>)
      } else {
      }
      %add3A_133 = arith.constant 1 : i32
      %add3A_134 = arith.addi %add3A_122, %add3A_133 : i32
      %lt3A_135 = arith.constant 32 : i32
      %lt3A_136 = arith.cmpi slt, %add3A_134, %lt3A_135 : i32
      %convert_element_type3A_137 = arith.extui %lt3A_136 : i1 to i32
      %cond3A_138 = arith.constant 0 : i32
      %cond3A_139 = arith.cmpi ne, %convert_element_type3A_137, %cond3A_138 : i32
      scf.if %cond3A_139 {
        %add3A_374 = arith.constant 0 : i32
        %add3A_375 = arith.addi %add3A_32, %add3A_374 : i32
        %add3A_376 = arith.constant 12288 : i32
        %add3A_377 = arith.addi %add3A_376, %mul3A_2 : i32
        %mul3A_378 = arith.constant 16 : i32
        %mul3A_379 = arith.muli %add3A_375, %mul3A_378 : i32
        %add3A_380 = arith.addi %add3A_377, %mul3A_379 : i32
        %dma_start3A_381 = arith.constant 0 : i32
        %dma_start3A_382 = tpu.memref_slice %arg2[%add3A_380, %dma_start3A_381] : memref<16384x1024xf32, #tpu.memory_space<hbm>> -> memref<16x1024xf32, #tpu.memory_space<hbm>>
        %dma_start3A_383 = arith.constant 0 : i32
        %dma_start3A_384 = tpu.memref_slice %arg2[%add3A_380, %dma_start3A_383] : memref<16384x1024xf32, #tpu.memory_space<hbm>> -> memref<16x1024xf32, #tpu.memory_space<hbm>>
        tpu.enqueue_dma source(%dma_start3A_384 : memref<16x1024xf32, #tpu.memory_space<hbm>>) target(%arg6 : memref<16x1024xf32, #tpu.memory_space<vmem>>) target_semaphore(%arg10 : memref<!tpu.dma_semaphore, #tpu.memory_space<semaphore_mem>>)
      } else {
      }
      %dma_wait3A_140 = arith.constant 0 : i32
      %dma_wait3A_141 = tpu.memref_slice %arg2[%mul3A_2, %dma_wait3A_140] : memref<16384x1024xf32, #tpu.memory_space<hbm>> -> memref<16x1024xf32, #tpu.memory_space<hbm>>
      %dma_wait3A_142 = arith.constant 0 : i32
      %dma_wait3A_143 = tpu.memref_slice %arg2[%mul3A_2, %dma_wait3A_142] : memref<16384x1024xf32, #tpu.memory_space<hbm>> -> memref<16x1024xf32, #tpu.memory_space<hbm>>
      tpu.wait_dma2 semaphore(%arg9 : memref<!tpu.dma_semaphore, #tpu.memory_space<semaphore_mem>>) src(%dma_wait3A_143 : memref<16x1024xf32, #tpu.memory_space<hbm>>) dst(%arg5 : memref<16x1024xf32, #tpu.memory_space<vmem>>)
      %scan3A_144 = arith.constant 0 : i32
      %scan3A_145 = arith.constant 0 : i32
      %scan3A_146 = arith.constant 16 : i32
      %scan3A_147 = arith.addi %scan3A_145, %scan3A_146 : i32
      %scan3A_148 = arith.constant 1 : i32
      scf.for %scan3A_374 = %scan3A_145 to %scan3A_147 step %scan3A_148  : i32 {
        %parallel_loop3A = arith.constant 0 : i32
        %parallel_loop3A_375 = arith.constant 64 : i32
        %parallel_loop3A_376 = arith.constant 1 : i32
        scf.for %parallel_loop3A_377 = %parallel_loop3A to %parallel_loop3A_375 step %parallel_loop3A_376  : i32 {
          %parallel_loop3A_378 = arith.constant 16 : i32
          %parallel_loop3A_379 = arith.muli %parallel_loop3A_377, %parallel_loop3A_378 : i32
          %parallel_loop3A_380 = arith.index_cast %scan3A_374 : i32 to index
          %parallel_loop3A_381 = arith.index_cast %parallel_loop3A_379 : i32 to index
          %parallel_loop3A_382 = tpu.vector_load %arg7[%parallel_loop3A_380, %parallel_loop3A_381] {strides = array<i32>} : memref<16x1024xf32, #tpu.memory_space<vmem>>, vector<1x16xf32>,
          %parallel_loop3A_383 = vector.shape_cast %parallel_loop3A_382 : vector<1x16xf32> to vector<16xf32>
          %parallel_loop3A_384 = arith.index_cast %scan3A_374 : i32 to index
          %parallel_loop3A_385 = arith.index_cast %parallel_loop3A_379 : i32 to index
          %parallel_loop3A_386 = tpu.vector_load %arg5[%parallel_loop3A_384, %parallel_loop3A_385] {strides = array<i32>} : memref<16x1024xf32, #tpu.memory_space<vmem>>, vector<1x16xf32>,
          %parallel_loop3A_387 = vector.shape_cast %parallel_loop3A_386 : vector<1x16xf32> to vector<16xf32>
          %parallel_loop3A_388 = vector.shape_cast %parallel_loop3A_383 : vector<16xf32> to vector<1x16xf32>
          tpu.vector_store %arg5[%parallel_loop3A_384, %parallel_loop3A_385], %parallel_loop3A_388 {add = true, strides = array<i32>} : memref<16x1024xf32, #tpu.memory_space<vmem>>, vector<1x16xf32>,
        } {sc.loop_unroll_factor = 8 : i64, sc.parallel_access}
      }
      %scan3A_149 = arith.constant 16 : i32
      %add3A_150 = arith.constant 8192 : i32
      %add3A_151 = arith.addi %add3A_150, %mul3A_2 : i32
      %mul3A_152 = arith.constant 16 : i32
      %mul3A_153 = arith.muli %add3A_32, %mul3A_152 : i32
      %add3A_154 = arith.addi %add3A_151, %mul3A_153 : i32
      %dma_start3A_155 = arith.constant 0 : i32
      %dma_start3A_156 = tpu.memref_slice %arg4[%add3A_154, %dma_start3A_155] : memref<16384x1024xf32, #tpu.memory_space<hbm>> -> memref<16x1024xf32, #tpu.memory_space<hbm>>
      %dma_start3A_157 = arith.constant 0 : i32
      %dma_start3A_158 = tpu.memref_slice %arg4[%add3A_154, %dma_start3A_157] : memref<16384x1024xf32, #tpu.memory_space<hbm>> -> memref<16x1024xf32, #tpu.memory_space<hbm>>
      tpu.enqueue_dma source(%arg5 : memref<16x1024xf32, #tpu.memory_space<vmem>>) target(%dma_start3A_158 : memref<16x1024xf32, #tpu.memory_space<hbm>>) target_semaphore(%arg13 : memref<!tpu.dma_semaphore, #tpu.memory_space<semaphore_mem>>)
      %mul3A_159 = arith.constant 4 : i32
      %mul3A_160 = arith.muli %add3A_32, %mul3A_159 : i32
      %add3A_161 = arith.constant 3 : i32
      %add3A_162 = arith.addi %mul3A_160, %add3A_161 : i32
      %ge3A_163 = arith.constant 1 : i32
      %ge3A_164 = arith.cmpi sge, %add3A_162, %ge3A_163 : i32
      %add3A_165 = arith.constant 1 : i32
      %add3A_166 = arith.addi %add3A_162, %add3A_165 : i32
      %lt3A_167 = arith.constant 32 : i32
      %lt3A_168 = arith.cmpi slt, %add3A_166, %lt3A_167 : i32
      %and3A_169 = arith.andi %ge3A_164, %lt3A_168 : i1
      %convert_element_type3A_170 = arith.extui %and3A_169 : i1 to i32
      %cond3A_171 = arith.constant 0 : i32
      %cond3A_172 = arith.cmpi ne, %convert_element_type3A_170, %cond3A_171 : i32
      scf.if %cond3A_172 {
        %dma_wait3A_374 = arith.constant 0 : i32
        %dma_wait3A_375 = tpu.memref_slice %arg4[%mul3A_2, %dma_wait3A_374] : memref<16384x1024xf32, #tpu.memory_space<hbm>> -> memref<16x1024xf32, #tpu.memory_space<hbm>>
        %dma_wait3A_376 = arith.constant 0 : i32
        %dma_wait3A_377 = tpu.memref_slice %arg4[%mul3A_2, %dma_wait3A_376] : memref<16384x1024xf32, #tpu.memory_space<hbm>> -> memref<16x1024xf32, #tpu.memory_space<hbm>>
        tpu.wait_dma2 semaphore(%arg13 : memref<!tpu.dma_semaphore, #tpu.memory_space<semaphore_mem>>) src(%arg5 : memref<16x1024xf32, #tpu.memory_space<vmem>>) dst(%dma_wait3A_377 : memref<16x1024xf32, #tpu.memory_space<hbm>>)
      } else {
      }
      %add3A_173 = arith.constant 1 : i32
      %add3A_174 = arith.addi %add3A_162, %add3A_173 : i32
      %lt3A_175 = arith.constant 32 : i32
      %lt3A_176 = arith.cmpi slt, %add3A_174, %lt3A_175 : i32
      %convert_element_type3A_177 = arith.extui %lt3A_176 : i1 to i32
      %cond3A_178 = arith.constant 0 : i32
      %cond3A_179 = arith.cmpi ne, %convert_element_type3A_177, %cond3A_178 : i32
      scf.if %cond3A_179 {
        %add3A_374 = arith.constant 1 : i32
        %add3A_375 = arith.addi %add3A_32, %add3A_374 : i32
        %add3A_376 = arith.constant 0 : i32
        %add3A_377 = arith.addi %add3A_376, %mul3A_2 : i32
        %mul3A_378 = arith.constant 16 : i32
        %mul3A_379 = arith.muli %add3A_375, %mul3A_378 : i32
        %add3A_380 = arith.addi %add3A_377, %mul3A_379 : i32
        %dma_start3A_381 = arith.constant 0 : i32
        %dma_start3A_382 = tpu.memref_slice %arg2[%add3A_380, %dma_start3A_381] : memref<16384x1024xf32, #tpu.memory_space<hbm>> -> memref<16x1024xf32, #tpu.memory_space<hbm>>
        %dma_start3A_383 = arith.constant 0 : i32
        %dma_start3A_384 = tpu.memref_slice %arg2[%add3A_380, %dma_start3A_383] : memref<16384x1024xf32, #tpu.memory_space<hbm>> -> memref<16x1024xf32, #tpu.memory_space<hbm>>
        tpu.enqueue_dma source(%dma_start3A_384 : memref<16x1024xf32, #tpu.memory_space<hbm>>) target(%arg5 : memref<16x1024xf32, #tpu.memory_space<vmem>>) target_semaphore(%arg9 : memref<!tpu.dma_semaphore, #tpu.memory_space<semaphore_mem>>)
      } else {
      }
      %dma_wait3A_180 = arith.constant 0 : i32
      %dma_wait3A_181 = tpu.memref_slice %arg2[%mul3A_2, %dma_wait3A_180] : memref<16384x1024xf32, #tpu.memory_space<hbm>> -> memref<16x1024xf32, #tpu.memory_space<hbm>>
      %dma_wait3A_182 = arith.constant 0 : i32
      %dma_wait3A_183 = tpu.memref_slice %arg2[%mul3A_2, %dma_wait3A_182] : memref<16384x1024xf32, #tpu.memory_space<hbm>> -> memref<16x1024xf32, #tpu.memory_space<hbm>>
      tpu.wait_dma2 semaphore(%arg10 : memref<!tpu.dma_semaphore, #tpu.memory_space<semaphore_mem>>) src(%dma_wait3A_183 : memref<16x1024xf32, #tpu.memory_space<hbm>>) dst(%arg6 : memref<16x1024xf32, #tpu.memory_space<vmem>>)
      %scan3A_184 = arith.constant 0 : i32
      %scan3A_185 = arith.constant 0 : i32
      %scan3A_186 = arith.constant 16 : i32
      %scan3A_187 = arith.addi %scan3A_185, %scan3A_186 : i32
      %scan3A_188 = arith.constant 1 : i32
      scf.for %scan3A_374 = %scan3A_185 to %scan3A_187 step %scan3A_188  : i32 {
        %parallel_loop3A = arith.constant 0 : i32
        %parallel_loop3A_375 = arith.constant 64 : i32
        %parallel_loop3A_376 = arith.constant 1 : i32
        scf.for %parallel_loop3A_377 = %parallel_loop3A to %parallel_loop3A_375 step %parallel_loop3A_376  : i32 {
          %parallel_loop3A_378 = arith.constant 16 : i32
          %parallel_loop3A_379 = arith.muli %parallel_loop3A_377, %parallel_loop3A_378 : i32
          %parallel_loop3A_380 = arith.index_cast %scan3A_374 : i32 to index
          %parallel_loop3A_381 = arith.index_cast %parallel_loop3A_379 : i32 to index
          %parallel_loop3A_382 = tpu.vector_load %arg7[%parallel_loop3A_380, %parallel_loop3A_381] {strides = array<i32>} : memref<16x1024xf32, #tpu.memory_space<vmem>>, vector<1x16xf32>,
          %parallel_loop3A_383 = vector.shape_cast %parallel_loop3A_382 : vector<1x16xf32> to vector<16xf32>
          %parallel_loop3A_384 = arith.index_cast %scan3A_374 : i32 to index
          %parallel_loop3A_385 = arith.index_cast %parallel_loop3A_379 : i32 to index
          %parallel_loop3A_386 = tpu.vector_load %arg6[%parallel_loop3A_384, %parallel_loop3A_385] {strides = array<i32>} : memref<16x1024xf32, #tpu.memory_space<vmem>>, vector<1x16xf32>,
          %parallel_loop3A_387 = vector.shape_cast %parallel_loop3A_386 : vector<1x16xf32> to vector<16xf32>
          %parallel_loop3A_388 = vector.shape_cast %parallel_loop3A_383 : vector<16xf32> to vector<1x16xf32>
          tpu.vector_store %arg6[%parallel_loop3A_384, %parallel_loop3A_385], %parallel_loop3A_388 {add = true, strides = array<i32>} : memref<16x1024xf32, #tpu.memory_space<vmem>>, vector<1x16xf32>,
        } {sc.loop_unroll_factor = 8 : i64, sc.parallel_access}
      }
      %scan3A_189 = arith.constant 16 : i32
      %add3A_190 = arith.constant 12288 : i32
      %add3A_191 = arith.addi %add3A_190, %mul3A_2 : i32
      %mul3A_192 = arith.constant 16 : i32
      %mul3A_193 = arith.muli %add3A_32, %mul3A_192 : i32
      %add3A_194 = arith.addi %add3A_191, %mul3A_193 : i32
      %dma_start3A_195 = arith.constant 0 : i32
      %dma_start3A_196 = tpu.memref_slice %arg4[%add3A_194, %dma_start3A_195] : memref<16384x1024xf32, #tpu.memory_space<hbm>> -> memref<16x1024xf32, #tpu.memory_space<hbm>>
      %dma_start3A_197 = arith.constant 0 : i32
      %dma_start3A_198 = tpu.memref_slice %arg4[%add3A_194, %dma_start3A_197] : memref<16384x1024xf32, #tpu.memory_space<hbm>> -> memref<16x1024xf32, #tpu.memory_space<hbm>>
      tpu.enqueue_dma source(%arg6 : memref<16x1024xf32, #tpu.memory_space<vmem>>) target(%dma_start3A_198 : memref<16x1024xf32, #tpu.memory_space<hbm>>) target_semaphore(%arg14 : memref<!tpu.dma_semaphore, #tpu.memory_space<semaphore_mem>>)
      %mul3A_199 = arith.constant 2 : i32
      %mul3A_200 = arith.muli %mul3A_199, %scan3A_28 : i32
      %add3A_201 = arith.constant 1 : i32
      %add3A_202 = arith.addi %mul3A_200, %add3A_201 : i32
      %add3A_203 = arith.constant 1 : i32
      %add3A_204 = arith.addi %add3A_202, %add3A_203 : i32
      %lt3A_205 = arith.constant 8 : i32
      %lt3A_206 = arith.cmpi slt, %add3A_204, %lt3A_205 : i32
      %convert_element_type3A_207 = arith.extui %lt3A_206 : i1 to i32
      %cond3A_208 = arith.constant 0 : i32
      %cond3A_209 = arith.cmpi ne, %convert_element_type3A_207, %cond3A_208 : i32
      scf.if %cond3A_209 {
        %add3A_374 = arith.constant 1 : i32
        %add3A_375 = arith.addi %add3A_202, %add3A_374 : i32
        %mul3A_376 = arith.constant 16 : i32
        %mul3A_377 = arith.muli %add3A_375, %mul3A_376 : i32
        %add3A_378 = arith.addi %mul3A_2, %mul3A_377 : i32
        %dma_start3A_379 = arith.constant 0 : i32
        %dma_start3A_380 = tpu.memref_slice %arg3[%add3A_378, %dma_start3A_379] : memref<8192x1024xf32, #tpu.memory_space<hbm>> -> memref<16x1024xf32, #tpu.memory_space<hbm>>
        %dma_start3A_381 = arith.constant 0 : i32
        %dma_start3A_382 = tpu.memref_slice %arg3[%add3A_378, %dma_start3A_381] : memref<8192x1024xf32, #tpu.memory_space<hbm>> -> memref<16x1024xf32, #tpu.memory_space<hbm>>
        tpu.enqueue_dma source(%dma_start3A_382 : memref<16x1024xf32, #tpu.memory_space<hbm>>) target(%arg7 : memref<16x1024xf32, #tpu.memory_space<vmem>>) target_semaphore(%arg11 : memref<!tpu.dma_semaphore, #tpu.memory_space<semaphore_mem>>)
      } else {
      }
      %dma_wait3A_210 = arith.constant 0 : i32
      %dma_wait3A_211 = tpu.memref_slice %arg3[%mul3A_2, %dma_wait3A_210] : memref<8192x1024xf32, #tpu.memory_space<hbm>> -> memref<16x1024xf32, #tpu.memory_space<hbm>>
      %dma_wait3A_212 = arith.constant 0 : i32
      %dma_wait3A_213 = tpu.memref_slice %arg3[%mul3A_2, %dma_wait3A_212] : memref<8192x1024xf32, #tpu.memory_space<hbm>> -> memref<16x1024xf32, #tpu.memory_space<hbm>>
      tpu.wait_dma2 semaphore(%arg12 : memref<!tpu.dma_semaphore, #tpu.memory_space<semaphore_mem>>) src(%dma_wait3A_213 : memref<16x1024xf32, #tpu.memory_space<hbm>>) dst(%arg8 : memref<16x1024xf32, #tpu.memory_space<vmem>>)
      %mul3A_214 = arith.constant 4 : i32
      %mul3A_215 = arith.muli %add3A_202, %mul3A_214 : i32
      %add3A_216 = arith.constant 0 : i32
      %add3A_217 = arith.addi %mul3A_215, %add3A_216 : i32
      %ge3A_218 = arith.constant 1 : i32
      %ge3A_219 = arith.cmpi sge, %add3A_217, %ge3A_218 : i32
      %add3A_220 = arith.constant 1 : i32
      %add3A_221 = arith.addi %add3A_217, %add3A_220 : i32
      %lt3A_222 = arith.constant 32 : i32
      %lt3A_223 = arith.cmpi slt, %add3A_221, %lt3A_222 : i32
      %and3A_224 = arith.andi %ge3A_219, %lt3A_223 : i1
      %convert_element_type3A_225 = arith.extui %and3A_224 : i1 to i32
      %cond3A_226 = arith.constant 0 : i32
      %cond3A_227 = arith.cmpi ne, %convert_element_type3A_225, %cond3A_226 : i32
      scf.if %cond3A_227 {
        %dma_wait3A_374 = arith.constant 0 : i32
        %dma_wait3A_375 = tpu.memref_slice %arg4[%mul3A_2, %dma_wait3A_374] : memref<16384x1024xf32, #tpu.memory_space<hbm>> -> memref<16x1024xf32, #tpu.memory_space<hbm>>
        %dma_wait3A_376 = arith.constant 0 : i32
        %dma_wait3A_377 = tpu.memref_slice %arg4[%mul3A_2, %dma_wait3A_376] : memref<16384x1024xf32, #tpu.memory_space<hbm>> -> memref<16x1024xf32, #tpu.memory_space<hbm>>
        tpu.wait_dma2 semaphore(%arg14 : memref<!tpu.dma_semaphore, #tpu.memory_space<semaphore_mem>>) src(%arg6 : memref<16x1024xf32, #tpu.memory_space<vmem>>) dst(%dma_wait3A_377 : memref<16x1024xf32, #tpu.memory_space<hbm>>)
      } else {
      }
      %add3A_228 = arith.constant 1 : i32
      %add3A_229 = arith.addi %add3A_217, %add3A_228 : i32
      %lt3A_230 = arith.constant 32 : i32
      %lt3A_231 = arith.cmpi slt, %add3A_229, %lt3A_230 : i32
      %convert_element_type3A_232 = arith.extui %lt3A_231 : i1 to i32
      %cond3A_233 = arith.constant 0 : i32
      %cond3A_234 = arith.cmpi ne, %convert_element_type3A_232, %cond3A_233 : i32
      scf.if %cond3A_234 {
        %add3A_374 = arith.constant 0 : i32
        %add3A_375 = arith.addi %add3A_202, %add3A_374 : i32
        %add3A_376 = arith.constant 4096 : i32
        %add3A_377 = arith.addi %add3A_376, %mul3A_2 : i32
        %mul3A_378 = arith.constant 16 : i32
        %mul3A_379 = arith.muli %add3A_375, %mul3A_378 : i32
        %add3A_380 = arith.addi %add3A_377, %mul3A_379 : i32
        %dma_start3A_381 = arith.constant 0 : i32
        %dma_start3A_382 = tpu.memref_slice %arg2[%add3A_380, %dma_start3A_381] : memref<16384x1024xf32, #tpu.memory_space<hbm>> -> memref<16x1024xf32, #tpu.memory_space<hbm>>
        %dma_start3A_383 = arith.constant 0 : i32
        %dma_start3A_384 = tpu.memref_slice %arg2[%add3A_380, %dma_start3A_383] : memref<16384x1024xf32, #tpu.memory_space<hbm>> -> memref<16x1024xf32, #tpu.memory_space<hbm>>
        tpu.enqueue_dma source(%dma_start3A_384 : memref<16x1024xf32, #tpu.memory_space<hbm>>) target(%arg6 : memref<16x1024xf32, #tpu.memory_space<vmem>>) target_semaphore(%arg10 : memref<!tpu.dma_semaphore, #tpu.memory_space<semaphore_mem>>)
      } else {
      }
      %dma_wait3A_235 = arith.constant 0 : i32
      %dma_wait3A_236 = tpu.memref_slice %arg2[%mul3A_2, %dma_wait3A_235] : memref<16384x1024xf32, #tpu.memory_space<hbm>> -> memref<16x1024xf32, #tpu.memory_space<hbm>>
      %dma_wait3A_237 = arith.constant 0 : i32
      %dma_wait3A_238 = tpu.memref_slice %arg2[%mul3A_2, %dma_wait3A_237] : memref<16384x1024xf32, #tpu.memory_space<hbm>> -> memref<16x1024xf32, #tpu.memory_space<hbm>>
      tpu.wait_dma2 semaphore(%arg9 : memref<!tpu.dma_semaphore, #tpu.memory_space<semaphore_mem>>) src(%dma_wait3A_238 : memref<16x1024xf32, #tpu.memory_space<hbm>>) dst(%arg5 : memref<16x1024xf32, #tpu.memory_space<vmem>>)
      %scan3A_239 = arith.constant 0 : i32
      %scan3A_240 = arith.constant 0 : i32
      %scan3A_241 = arith.constant 16 : i32
      %scan3A_242 = arith.addi %scan3A_240, %scan3A_241 : i32
      %scan3A_243 = arith.constant 1 : i32
      scf.for %scan3A_374 = %scan3A_240 to %scan3A_242 step %scan3A_243  : i32 {
        %parallel_loop3A = arith.constant 0 : i32
        %parallel_loop3A_375 = arith.constant 64 : i32
        %parallel_loop3A_376 = arith.constant 1 : i32
        scf.for %parallel_loop3A_377 = %parallel_loop3A to %parallel_loop3A_375 step %parallel_loop3A_376  : i32 {
          %parallel_loop3A_378 = arith.constant 16 : i32
          %parallel_loop3A_379 = arith.muli %parallel_loop3A_377, %parallel_loop3A_378 : i32
          %parallel_loop3A_380 = arith.index_cast %scan3A_374 : i32 to index
          %parallel_loop3A_381 = arith.index_cast %parallel_loop3A_379 : i32 to index
          %parallel_loop3A_382 = tpu.vector_load %arg8[%parallel_loop3A_380, %parallel_loop3A_381] {strides = array<i32>} : memref<16x1024xf32, #tpu.memory_space<vmem>>, vector<1x16xf32>,
          %parallel_loop3A_383 = vector.shape_cast %parallel_loop3A_382 : vector<1x16xf32> to vector<16xf32>
          %parallel_loop3A_384 = arith.index_cast %scan3A_374 : i32 to index
          %parallel_loop3A_385 = arith.index_cast %parallel_loop3A_379 : i32 to index
          %parallel_loop3A_386 = tpu.vector_load %arg5[%parallel_loop3A_384, %parallel_loop3A_385] {strides = array<i32>} : memref<16x1024xf32, #tpu.memory_space<vmem>>, vector<1x16xf32>,
          %parallel_loop3A_387 = vector.shape_cast %parallel_loop3A_386 : vector<1x16xf32> to vector<16xf32>
          %parallel_loop3A_388 = vector.shape_cast %parallel_loop3A_383 : vector<16xf32> to vector<1x16xf32>
          tpu.vector_store %arg5[%parallel_loop3A_384, %parallel_loop3A_385], %parallel_loop3A_388 {add = true, strides = array<i32>} : memref<16x1024xf32, #tpu.memory_space<vmem>>, vector<1x16xf32>,
        } {sc.loop_unroll_factor = 8 : i64, sc.parallel_access}
      }
      %scan3A_244 = arith.constant 16 : i32
      %add3A_245 = arith.constant 0 : i32
      %add3A_246 = arith.addi %add3A_245, %mul3A_2 : i32
      %mul3A_247 = arith.constant 16 : i32
      %mul3A_248 = arith.muli %add3A_202, %mul3A_247 : i32
      %add3A_249 = arith.addi %add3A_246, %mul3A_248 : i32
      %dma_start3A_250 = arith.constant 0 : i32
      %dma_start3A_251 = tpu.memref_slice %arg4[%add3A_249, %dma_start3A_250] : memref<16384x1024xf32, #tpu.memory_space<hbm>> -> memref<16x1024xf32, #tpu.memory_space<hbm>>
      %dma_start3A_252 = arith.constant 0 : i32
      %dma_start3A_253 = tpu.memref_slice %arg4[%add3A_249, %dma_start3A_252] : memref<16384x1024xf32, #tpu.memory_space<hbm>> -> memref<16x1024xf32, #tpu.memory_space<hbm>>
      tpu.enqueue_dma source(%arg5 : memref<16x1024xf32, #tpu.memory_space<vmem>>) target(%dma_start3A_253 : memref<16x1024xf32, #tpu.memory_space<hbm>>) target_semaphore(%arg13 : memref<!tpu.dma_semaphore, #tpu.memory_space<semaphore_mem>>)
      %mul3A_254 = arith.constant 4 : i32
      %mul3A_255 = arith.muli %add3A_202, %mul3A_254 : i32
      %add3A_256 = arith.constant 1 : i32
      %add3A_257 = arith.addi %mul3A_255, %add3A_256 : i32
      %ge3A_258 = arith.constant 1 : i32
      %ge3A_259 = arith.cmpi sge, %add3A_257, %ge3A_258 : i32
      %add3A_260 = arith.constant 1 : i32
      %add3A_261 = arith.addi %add3A_257, %add3A_260 : i32
      %lt3A_262 = arith.constant 32 : i32
      %lt3A_263 = arith.cmpi slt, %add3A_261, %lt3A_262 : i32
      %and3A_264 = arith.andi %ge3A_259, %lt3A_263 : i1
      %convert_element_type3A_265 = arith.extui %and3A_264 : i1 to i32
      %cond3A_266 = arith.constant 0 : i32
      %cond3A_267 = arith.cmpi ne, %convert_element_type3A_265, %cond3A_266 : i32
      scf.if %cond3A_267 {
        %dma_wait3A_374 = arith.constant 0 : i32
        %dma_wait3A_375 = tpu.memref_slice %arg4[%mul3A_2, %dma_wait3A_374] : memref<16384x1024xf32, #tpu.memory_space<hbm>> -> memref<16x1024xf32, #tpu.memory_space<hbm>>
        %dma_wait3A_376 = arith.constant 0 : i32
        %dma_wait3A_377 = tpu.memref_slice %arg4[%mul3A_2, %dma_wait3A_376] : memref<16384x1024xf32, #tpu.memory_space<hbm>> -> memref<16x1024xf32, #tpu.memory_space<hbm>>
        tpu.wait_dma2 semaphore(%arg13 : memref<!tpu.dma_semaphore, #tpu.memory_space<semaphore_mem>>) src(%arg5 : memref<16x1024xf32, #tpu.memory_space<vmem>>) dst(%dma_wait3A_377 : memref<16x1024xf32, #tpu.memory_space<hbm>>)
      } else {
      }
      %add3A_268 = arith.constant 1 : i32
      %add3A_269 = arith.addi %add3A_257, %add3A_268 : i32
      %lt3A_270 = arith.constant 32 : i32
      %lt3A_271 = arith.cmpi slt, %add3A_269, %lt3A_270 : i32
      %convert_element_type3A_272 = arith.extui %lt3A_271 : i1 to i32
      %cond3A_273 = arith.constant 0 : i32
      %cond3A_274 = arith.cmpi ne, %convert_element_type3A_272, %cond3A_273 : i32
      scf.if %cond3A_274 {
        %add3A_374 = arith.constant 0 : i32
        %add3A_375 = arith.addi %add3A_202, %add3A_374 : i32
        %add3A_376 = arith.constant 8192 : i32
        %add3A_377 = arith.addi %add3A_376, %mul3A_2 : i32
        %mul3A_378 = arith.constant 16 : i32
        %mul3A_379 = arith.muli %add3A_375, %mul3A_378 : i32
        %add3A_380 = arith.addi %add3A_377, %mul3A_379 : i32
        %dma_start3A_381 = arith.constant 0 : i32
        %dma_start3A_382 = tpu.memref_slice %arg2[%add3A_380, %dma_start3A_381] : memref<16384x1024xf32, #tpu.memory_space<hbm>> -> memref<16x1024xf32, #tpu.memory_space<hbm>>
        %dma_start3A_383 = arith.constant 0 : i32
        %dma_start3A_384 = tpu.memref_slice %arg2[%add3A_380, %dma_start3A_383] : memref<16384x1024xf32, #tpu.memory_space<hbm>> -> memref<16x1024xf32, #tpu.memory_space<hbm>>
        tpu.enqueue_dma source(%dma_start3A_384 : memref<16x1024xf32, #tpu.memory_space<hbm>>) target(%arg5 : memref<16x1024xf32, #tpu.memory_space<vmem>>) target_semaphore(%arg9 : memref<!tpu.dma_semaphore, #tpu.memory_space<semaphore_mem>>)
      } else {
      }
      %dma_wait3A_275 = arith.constant 0 : i32
      %dma_wait3A_276 = tpu.memref_slice %arg2[%mul3A_2, %dma_wait3A_275] : memref<16384x1024xf32, #tpu.memory_space<hbm>> -> memref<16x1024xf32, #tpu.memory_space<hbm>>
      %dma_wait3A_277 = arith.constant 0 : i32
      %dma_wait3A_278 = tpu.memref_slice %arg2[%mul3A_2, %dma_wait3A_277] : memref<16384x1024xf32, #tpu.memory_space<hbm>> -> memref<16x1024xf32, #tpu.memory_space<hbm>>
      tpu.wait_dma2 semaphore(%arg10 : memref<!tpu.dma_semaphore, #tpu.memory_space<semaphore_mem>>) src(%dma_wait3A_278 : memref<16x1024xf32, #tpu.memory_space<hbm>>) dst(%arg6 : memref<16x1024xf32, #tpu.memory_space<vmem>>)
      %scan3A_279 = arith.constant 0 : i32
      %scan3A_280 = arith.constant 0 : i32
      %scan3A_281 = arith.constant 16 : i32
      %scan3A_282 = arith.addi %scan3A_280, %scan3A_281 : i32
      %scan3A_283 = arith.constant 1 : i32
      scf.for %scan3A_374 = %scan3A_280 to %scan3A_282 step %scan3A_283  : i32 {
        %parallel_loop3A = arith.constant 0 : i32
        %parallel_loop3A_375 = arith.constant 64 : i32
        %parallel_loop3A_376 = arith.constant 1 : i32
        scf.for %parallel_loop3A_377 = %parallel_loop3A to %parallel_loop3A_375 step %parallel_loop3A_376  : i32 {
          %parallel_loop3A_378 = arith.constant 16 : i32
          %parallel_loop3A_379 = arith.muli %parallel_loop3A_377, %parallel_loop3A_378 : i32
          %parallel_loop3A_380 = arith.index_cast %scan3A_374 : i32 to index
          %parallel_loop3A_381 = arith.index_cast %parallel_loop3A_379 : i32 to index
          %parallel_loop3A_382 = tpu.vector_load %arg8[%parallel_loop3A_380, %parallel_loop3A_381] {strides = array<i32>} : memref<16x1024xf32, #tpu.memory_space<vmem>>, vector<1x16xf32>,
          %parallel_loop3A_383 = vector.shape_cast %parallel_loop3A_382 : vector<1x16xf32> to vector<16xf32>
          %parallel_loop3A_384 = arith.index_cast %scan3A_374 : i32 to index
          %parallel_loop3A_385 = arith.index_cast %parallel_loop3A_379 : i32 to index
          %parallel_loop3A_386 = tpu.vector_load %arg6[%parallel_loop3A_384, %parallel_loop3A_385] {strides = array<i32>} : memref<16x1024xf32, #tpu.memory_space<vmem>>, vector<1x16xf32>,
          %parallel_loop3A_387 = vector.shape_cast %parallel_loop3A_386 : vector<1x16xf32> to vector<16xf32>
          %parallel_loop3A_388 = vector.shape_cast %parallel_loop3A_383 : vector<16xf32> to vector<1x16xf32>
          tpu.vector_store %arg6[%parallel_loop3A_384, %parallel_loop3A_385], %parallel_loop3A_388 {add = true, strides = array<i32>} : memref<16x1024xf32, #tpu.memory_space<vmem>>, vector<1x16xf32>,
        } {sc.loop_unroll_factor = 8 : i64, sc.parallel_access}
      }
      %scan3A_284 = arith.constant 16 : i32
      %add3A_285 = arith.constant 4096 : i32
      %add3A_286 = arith.addi %add3A_285, %mul3A_2 : i32
      %mul3A_287 = arith.constant 16 : i32
      %mul3A_288 = arith.muli %add3A_202, %mul3A_287 : i32
      %add3A_289 = arith.addi %add3A_286, %mul3A_288 : i32
      %dma_start3A_290 = arith.constant 0 : i32
      %dma_start3A_291 = tpu.memref_slice %arg4[%add3A_289, %dma_start3A_290] : memref<16384x1024xf32, #tpu.memory_space<hbm>> -> memref<16x1024xf32, #tpu.memory_space<hbm>>
      %dma_start3A_292 = arith.constant 0 : i32
      %dma_start3A_293 = tpu.memref_slice %arg4[%add3A_289, %dma_start3A_292] : memref<16384x1024xf32, #tpu.memory_space<hbm>> -> memref<16x1024xf32, #tpu.memory_space<hbm>>
      tpu.enqueue_dma source(%arg6 : memref<16x1024xf32, #tpu.memory_space<vmem>>) target(%dma_start3A_293 : memref<16x1024xf32, #tpu.memory_space<hbm>>) target_semaphore(%arg14 : memref<!tpu.dma_semaphore, #tpu.memory_space<semaphore_mem>>)
      %mul3A_294 = arith.constant 4 : i32
      %mul3A_295 = arith.muli %add3A_202, %mul3A_294 : i32
      %add3A_296 = arith.constant 2 : i32
      %add3A_297 = arith.addi %mul3A_295, %add3A_296 : i32
      %ge3A_298 = arith.constant 1 : i32
      %ge3A_299 = arith.cmpi sge, %add3A_297, %ge3A_298 : i32
      %add3A_300 = arith.constant 1 : i32
      %add3A_301 = arith.addi %add3A_297, %add3A_300 : i32
      %lt3A_302 = arith.constant 32 : i32
      %lt3A_303 = arith.cmpi slt, %add3A_301, %lt3A_302 : i32
      %and3A_304 = arith.andi %ge3A_299, %lt3A_303 : i1
      %convert_element_type3A_305 = arith.extui %and3A_304 : i1 to i32
      %cond3A_306 = arith.constant 0 : i32
      %cond3A_307 = arith.cmpi ne, %convert_element_type3A_305, %cond3A_306 : i32
      scf.if %cond3A_307 {
        %dma_wait3A_374 = arith.constant 0 : i32
        %dma_wait3A_375 = tpu.memref_slice %arg4[%mul3A_2, %dma_wait3A_374] : memref<16384x1024xf32, #tpu.memory_space<hbm>> -> memref<16x1024xf32, #tpu.memory_space<hbm>>
        %dma_wait3A_376 = arith.constant 0 : i32
        %dma_wait3A_377 = tpu.memref_slice %arg4[%mul3A_2, %dma_wait3A_376] : memref<16384x1024xf32, #tpu.memory_space<hbm>> -> memref<16x1024xf32, #tpu.memory_space<hbm>>
        tpu.wait_dma2 semaphore(%arg14 : memref<!tpu.dma_semaphore, #tpu.memory_space<semaphore_mem>>) src(%arg6 : memref<16x1024xf32, #tpu.memory_space<vmem>>) dst(%dma_wait3A_377 : memref<16x1024xf32, #tpu.memory_space<hbm>>)
      } else {
      }
      %add3A_308 = arith.constant 1 : i32
      %add3A_309 = arith.addi %add3A_297, %add3A_308 : i32
      %lt3A_310 = arith.constant 32 : i32
      %lt3A_311 = arith.cmpi slt, %add3A_309, %lt3A_310 : i32
      %convert_element_type3A_312 = arith.extui %lt3A_311 : i1 to i32
      %cond3A_313 = arith.constant 0 : i32
      %cond3A_314 = arith.cmpi ne, %convert_element_type3A_312, %cond3A_313 : i32
      scf.if %cond3A_314 {
        %add3A_374 = arith.constant 0 : i32
        %add3A_375 = arith.addi %add3A_202, %add3A_374 : i32
        %add3A_376 = arith.constant 12288 : i32
        %add3A_377 = arith.addi %add3A_376, %mul3A_2 : i32
        %mul3A_378 = arith.constant 16 : i32
        %mul3A_379 = arith.muli %add3A_375, %mul3A_378 : i32
        %add3A_380 = arith.addi %add3A_377, %mul3A_379 : i32
        %dma_start3A_381 = arith.constant 0 : i32
        %dma_start3A_382 = tpu.memref_slice %arg2[%add3A_380, %dma_start3A_381] : memref<16384x1024xf32, #tpu.memory_space<hbm>> -> memref<16x1024xf32, #tpu.memory_space<hbm>>
        %dma_start3A_383 = arith.constant 0 : i32
        %dma_start3A_384 = tpu.memref_slice %arg2[%add3A_380, %dma_start3A_383] : memref<16384x1024xf32, #tpu.memory_space<hbm>> -> memref<16x1024xf32, #tpu.memory_space<hbm>>
        tpu.enqueue_dma source(%dma_start3A_384 : memref<16x1024xf32, #tpu.memory_space<hbm>>) target(%arg6 : memref<16x1024xf32, #tpu.memory_space<vmem>>) target_semaphore(%arg10 : memref<!tpu.dma_semaphore, #tpu.memory_space<semaphore_mem>>)
      } else {
      }
      %dma_wait3A_315 = arith.constant 0 : i32
      %dma_wait3A_316 = tpu.memref_slice %arg2[%mul3A_2, %dma_wait3A_315] : memref<16384x1024xf32, #tpu.memory_space<hbm>> -> memref<16x1024xf32, #tpu.memory_space<hbm>>
      %dma_wait3A_317 = arith.constant 0 : i32
      %dma_wait3A_318 = tpu.memref_slice %arg2[%mul3A_2, %dma_wait3A_317] : memref<16384x1024xf32, #tpu.memory_space<hbm>> -> memref<16x1024xf32, #tpu.memory_space<hbm>>
      tpu.wait_dma2 semaphore(%arg9 : memref<!tpu.dma_semaphore, #tpu.memory_space<semaphore_mem>>) src(%dma_wait3A_318 : memref<16x1024xf32, #tpu.memory_space<hbm>>) dst(%arg5 : memref<16x1024xf32, #tpu.memory_space<vmem>>)
      %scan3A_319 = arith.constant 0 : i32
      %scan3A_320 = arith.constant 0 : i32
      %scan3A_321 = arith.constant 16 : i32
      %scan3A_322 = arith.addi %scan3A_320, %scan3A_321 : i32
      %scan3A_323 = arith.constant 1 : i32
      scf.for %scan3A_374 = %scan3A_320 to %scan3A_322 step %scan3A_323  : i32 {
        %parallel_loop3A = arith.constant 0 : i32
        %parallel_loop3A_375 = arith.constant 64 : i32
        %parallel_loop3A_376 = arith.constant 1 : i32
        scf.for %parallel_loop3A_377 = %parallel_loop3A to %parallel_loop3A_375 step %parallel_loop3A_376  : i32 {
          %parallel_loop3A_378 = arith.constant 16 : i32
          %parallel_loop3A_379 = arith.muli %parallel_loop3A_377, %parallel_loop3A_378 : i32
          %parallel_loop3A_380 = arith.index_cast %scan3A_374 : i32 to index
          %parallel_loop3A_381 = arith.index_cast %parallel_loop3A_379 : i32 to index
          %parallel_loop3A_382 = tpu.vector_load %arg8[%parallel_loop3A_380, %parallel_loop3A_381] {strides = array<i32>} : memref<16x1024xf32, #tpu.memory_space<vmem>>, vector<1x16xf32>,
          %parallel_loop3A_383 = vector.shape_cast %parallel_loop3A_382 : vector<1x16xf32> to vector<16xf32>
          %parallel_loop3A_384 = arith.index_cast %scan3A_374 : i32 to index
          %parallel_loop3A_385 = arith.index_cast %parallel_loop3A_379 : i32 to index
          %parallel_loop3A_386 = tpu.vector_load %arg5[%parallel_loop3A_384, %parallel_loop3A_385] {strides = array<i32>} : memref<16x1024xf32, #tpu.memory_space<vmem>>, vector<1x16xf32>,
          %parallel_loop3A_387 = vector.shape_cast %parallel_loop3A_386 : vector<1x16xf32> to vector<16xf32>
          %parallel_loop3A_388 = vector.shape_cast %parallel_loop3A_383 : vector<16xf32> to vector<1x16xf32>
          tpu.vector_store %arg5[%parallel_loop3A_384, %parallel_loop3A_385], %parallel_loop3A_388 {add = true, strides = array<i32>} : memref<16x1024xf32, #tpu.memory_space<vmem>>, vector<1x16xf32>,
        } {sc.loop_unroll_factor = 8 : i64, sc.parallel_access}
      }
      %scan3A_324 = arith.constant 16 : i32
      %add3A_325 = arith.constant 8192 : i32
      %add3A_326 = arith.addi %add3A_325, %mul3A_2 : i32
      %mul3A_327 = arith.constant 16 : i32
      %mul3A_328 = arith.muli %add3A_202, %mul3A_327 : i32
      %add3A_329 = arith.addi %add3A_326, %mul3A_328 : i32
      %dma_start3A_330 = arith.constant 0 : i32
      %dma_start3A_331 = tpu.memref_slice %arg4[%add3A_329, %dma_start3A_330] : memref<16384x1024xf32, #tpu.memory_space<hbm>> -> memref<16x1024xf32, #tpu.memory_space<hbm>>
      %dma_start3A_332 = arith.constant 0 : i32
      %dma_start3A_333 = tpu.memref_slice %arg4[%add3A_329, %dma_start3A_332] : memref<16384x1024xf32, #tpu.memory_space<hbm>> -> memref<16x1024xf32, #tpu.memory_space<hbm>>
      tpu.enqueue_dma source(%arg5 : memref<16x1024xf32, #tpu.memory_space<vmem>>) target(%dma_start3A_333 : memref<16x1024xf32, #tpu.memory_space<hbm>>) target_semaphore(%arg13 : memref<!tpu.dma_semaphore, #tpu.memory_space<semaphore_mem>>)
      %mul3A_334 = arith.constant 4 : i32
      %mul3A_335 = arith.muli %add3A_202, %mul3A_334 : i32
      %add3A_336 = arith.constant 3 : i32
      %add3A_337 = arith.addi %mul3A_335, %add3A_336 : i32
      %ge3A_338 = arith.constant 1 : i32
      %ge3A_339 = arith.cmpi sge, %add3A_337, %ge3A_338 : i32
      %add3A_340 = arith.constant 1 : i32
      %add3A_341 = arith.addi %add3A_337, %add3A_340 : i32
      %lt3A_342 = arith.constant 32 : i32
      %lt3A_343 = arith.cmpi slt, %add3A_341, %lt3A_342 : i32
      %and3A_344 = arith.andi %ge3A_339, %lt3A_343 : i1
      %convert_element_type3A_345 = arith.extui %and3A_344 : i1 to i32
      %cond3A_346 = arith.constant 0 : i32
      %cond3A_347 = arith.cmpi ne, %convert_element_type3A_345, %cond3A_346 : i32
      scf.if %cond3A_347 {
        %dma_wait3A_374 = arith.constant 0 : i32
        %dma_wait3A_375 = tpu.memref_slice %arg4[%mul3A_2, %dma_wait3A_374] : memref<16384x1024xf32, #tpu.memory_space<hbm>> -> memref<16x1024xf32, #tpu.memory_space<hbm>>
        %dma_wait3A_376 = arith.constant 0 : i32
        %dma_wait3A_377 = tpu.memref_slice %arg4[%mul3A_2, %dma_wait3A_376] : memref<16384x1024xf32, #tpu.memory_space<hbm>> -> memref<16x1024xf32, #tpu.memory_space<hbm>>
        tpu.wait_dma2 semaphore(%arg13 : memref<!tpu.dma_semaphore, #tpu.memory_space<semaphore_mem>>) src(%arg5 : memref<16x1024xf32, #tpu.memory_space<vmem>>) dst(%dma_wait3A_377 : memref<16x1024xf32, #tpu.memory_space<hbm>>)
      } else {
      }
      %add3A_348 = arith.constant 1 : i32
      %add3A_349 = arith.addi %add3A_337, %add3A_348 : i32
      %lt3A_350 = arith.constant 32 : i32
      %lt3A_351 = arith.cmpi slt, %add3A_349, %lt3A_350 : i32
      %convert_element_type3A_352 = arith.extui %lt3A_351 : i1 to i32
      %cond3A_353 = arith.constant 0 : i32
      %cond3A_354 = arith.cmpi ne, %convert_element_type3A_352, %cond3A_353 : i32
      scf.if %cond3A_354 {
        %add3A_374 = arith.constant 1 : i32
        %add3A_375 = arith.addi %add3A_202, %add3A_374 : i32
        %add3A_376 = arith.constant 0 : i32
        %add3A_377 = arith.addi %add3A_376, %mul3A_2 : i32
        %mul3A_378 = arith.constant 16 : i32
        %mul3A_379 = arith.muli %add3A_375, %mul3A_378 : i32
        %add3A_380 = arith.addi %add3A_377, %mul3A_379 : i32
        %dma_start3A_381 = arith.constant 0 : i32
        %dma_start3A_382 = tpu.memref_slice %arg2[%add3A_380, %dma_start3A_381] : memref<16384x1024xf32, #tpu.memory_space<hbm>> -> memref<16x1024xf32, #tpu.memory_space<hbm>>
        %dma_start3A_383 = arith.constant 0 : i32
        %dma_start3A_384 = tpu.memref_slice %arg2[%add3A_380, %dma_start3A_383] : memref<16384x1024xf32, #tpu.memory_space<hbm>> -> memref<16x1024xf32, #tpu.memory_space<hbm>>
        tpu.enqueue_dma source(%dma_start3A_384 : memref<16x1024xf32, #tpu.memory_space<hbm>>) target(%arg5 : memref<16x1024xf32, #tpu.memory_space<vmem>>) target_semaphore(%arg9 : memref<!tpu.dma_semaphore, #tpu.memory_space<semaphore_mem>>)
      } else {
      }
      %dma_wait3A_355 = arith.constant 0 : i32
      %dma_wait3A_356 = tpu.memref_slice %arg2[%mul3A_2, %dma_wait3A_355] : memref<16384x1024xf32, #tpu.memory_space<hbm>> -> memref<16x1024xf32, #tpu.memory_space<hbm>>
      %dma_wait3A_357 = arith.constant 0 : i32
      %dma_wait3A_358 = tpu.memref_slice %arg2[%mul3A_2, %dma_wait3A_357] : memref<16384x1024xf32, #tpu.memory_space<hbm>> -> memref<16x1024xf32, #tpu.memory_space<hbm>>
      tpu.wait_dma2 semaphore(%arg10 : memref<!tpu.dma_semaphore, #tpu.memory_space<semaphore_mem>>) src(%dma_wait3A_358 : memref<16x1024xf32, #tpu.memory_space<hbm>>) dst(%arg6 : memref<16x1024xf32, #tpu.memory_space<vmem>>)
      %scan3A_359 = arith.constant 0 : i32
      %scan3A_360 = arith.constant 0 : i32
      %scan3A_361 = arith.constant 16 : i32
      %scan3A_362 = arith.addi %scan3A_360, %scan3A_361 : i32
      %scan3A_363 = arith.constant 1 : i32
      scf.for %scan3A_374 = %scan3A_360 to %scan3A_362 step %scan3A_363  : i32 {
        %parallel_loop3A = arith.constant 0 : i32
        %parallel_loop3A_375 = arith.constant 64 : i32
        %parallel_loop3A_376 = arith.constant 1 : i32
        scf.for %parallel_loop3A_377 = %parallel_loop3A to %parallel_loop3A_375 step %parallel_loop3A_376  : i32 {
          %parallel_loop3A_378 = arith.constant 16 : i32
          %parallel_loop3A_379 = arith.muli %parallel_loop3A_377, %parallel_loop3A_378 : i32
          %parallel_loop3A_380 = arith.index_cast %scan3A_374 : i32 to index
          %parallel_loop3A_381 = arith.index_cast %parallel_loop3A_379 : i32 to index
          %parallel_loop3A_382 = tpu.vector_load %arg8[%parallel_loop3A_380, %parallel_loop3A_381] {strides = array<i32>} : memref<16x1024xf32, #tpu.memory_space<vmem>>, vector<1x16xf32>,
          %parallel_loop3A_383 = vector.shape_cast %parallel_loop3A_382 : vector<1x16xf32> to vector<16xf32>
          %parallel_loop3A_384 = arith.index_cast %scan3A_374 : i32 to index
          %parallel_loop3A_385 = arith.index_cast %parallel_loop3A_379 : i32 to index
          %parallel_loop3A_386 = tpu.vector_load %arg6[%parallel_loop3A_384, %parallel_loop3A_385] {strides = array<i32>} : memref<16x1024xf32, #tpu.memory_space<vmem>>, vector<1x16xf32>,
          %parallel_loop3A_387 = vector.shape_cast %parallel_loop3A_386 : vector<1x16xf32> to vector<16xf32>
          %parallel_loop3A_388 = vector.shape_cast %parallel_loop3A_383 : vector<16xf32> to vector<1x16xf32>
          tpu.vector_store %arg6[%parallel_loop3A_384, %parallel_loop3A_385], %parallel_loop3A_388 {add = true, strides = array<i32>} : memref<16x1024xf32, #tpu.memory_space<vmem>>, vector<1x16xf32>,
        } {sc.loop_unroll_factor = 8 : i64, sc.parallel_access}
      }
      %scan3A_364 = arith.constant 16 : i32
      %add3A_365 = arith.constant 12288 : i32
      %add3A_366 = arith.addi %add3A_365, %mul3A_2 : i32
      %mul3A_367 = arith.constant 16 : i32
      %mul3A_368 = arith.muli %add3A_202, %mul3A_367 : i32
      %add3A_369 = arith.addi %add3A_366, %mul3A_368 : i32
      %dma_start3A_370 = arith.constant 0 : i32
      %dma_start3A_371 = tpu.memref_slice %arg4[%add3A_369, %dma_start3A_370] : memref<16384x1024xf32, #tpu.memory_space<hbm>> -> memref<16x1024xf32, #tpu.memory_space<hbm>>
      %dma_start3A_372 = arith.constant 0 : i32
      %dma_start3A_373 = tpu.memref_slice %arg4[%add3A_369, %dma_start3A_372] : memref<16384x1024xf32, #tpu.memory_space<hbm>> -> memref<16x1024xf32, #tpu.memory_space<hbm>>
      tpu.enqueue_dma source(%arg6 : memref<16x1024xf32, #tpu.memory_space<vmem>>) target(%dma_start3A_373 : memref<16x1024xf32, #tpu.memory_space<hbm>>) target_semaphore(%arg14 : memref<!tpu.dma_semaphore, #tpu.memory_space<semaphore_mem>>)
    }
    %scan3A_20 = arith.constant 4 : i32
    %dma_wait3A = arith.constant 0 : i32
    %dma_wait3A_21 = tpu.memref_slice %arg4[%mul3A_2, %dma_wait3A] : memref<16384x1024xf32, #tpu.memory_space<hbm>> -> memref<16x1024xf32, #tpu.memory_space<hbm>>
    %dma_wait3A_22 = arith.constant 0 : i32
    %dma_wait3A_23 = tpu.memref_slice %arg4[%mul3A_2, %dma_wait3A_22] : memref<16384x1024xf32, #tpu.memory_space<hbm>> -> memref<16x1024xf32, #tpu.memory_space<hbm>>
    tpu.wait_dma2 semaphore(%arg13 : memref<!tpu.dma_semaphore, #tpu.memory_space<semaphore_mem>>) src(%arg5 : memref<16x1024xf32, #tpu.memory_space<vmem>>) dst(%dma_wait3A_23 : memref<16x1024xf32, #tpu.memory_space<hbm>>)
    %dma_wait3A_24 = arith.constant 0 : i32
    %dma_wait3A_25 = tpu.memref_slice %arg4[%mul3A_2, %dma_wait3A_24] : memref<16384x1024xf32, #tpu.memory_space<hbm>> -> memref<16x1024xf32, #tpu.memory_space<hbm>>
    %dma_wait3A_26 = arith.constant 0 : i32
    %dma_wait3A_27 = tpu.memref_slice %arg4[%mul3A_2, %dma_wait3A_26] : memref<16384x1024xf32, #tpu.memory_space<hbm>> -> memref<16x1024xf32, #tpu.memory_space<hbm>>
    tpu.wait_dma2 semaphore(%arg14 : memref<!tpu.dma_semaphore, #tpu.memory_space<semaphore_mem>>) src(%arg6 : memref<16x1024xf32, #tpu.memory_space<vmem>>) dst(%dma_wait3A_27 : memref<16x1024xf32, #tpu.memory_space<hbm>>)
    return
  }
}

</mosaic_0001>

<sc_bundles>
// kernel: kernel.3.cloned.1.call-start
scs
__scs_entry_jumppad:
0x0: {  	(pc) =	sbr.rel $0x88, $3  }
0x1: {  	(tag) =	ssettag $0x0;
	lr =	simm.s32 $0x1  }
0x2: {  	[smem:$0x3F9F] =	sst lr;
	_ =	strace $0xD0000000  }
0x3: {  	_ = 	snop  }
0x4: {  	_ = 	snop  }
0x5: {  	_ = 	snop  }
0x6: {  	_ = 	snop  }
0x7: {  	_ = 	snop  }
__scs_overlays_trampoline_lowered:
0x8: {  	[smem:$0x3FAE] =	sst s0  }
0x9: {  	[smem:$0x3FAF] =	sst s1  }
0xa: {  	[smem:$0x3FB0] =	sst s2  }
0xb: {  	[smem:$0x3FB1] =	sst s3  }
0xc: {  	[smem:$0x3FB2] =	sst s4  }
0xd: {  	[smem:$0x3FB3] =	sst s5  }
0xe: {  	[smem:$0x3FB4] =	sst s6  }
0xf: {  	[smem:$0x3FB5] =	sst s7  }
0x10: {  	[smem:$0x3FB6] =	sst s8  }
0x11: {  	[smem:$0x3FB7] =	sst s9;
	s0 =	simm.s32 @!p0 $0x0  }
0x12: {  	s1 =	sld [smem:$0x3F9D];
	s0 =	simm.s32 @p0 $0x1  }
0x13: {  	[smem:$0x3FB8] =	sst s0;
	s0 =	simm.s32 @!p1 $0x0  }
0x14: {  	s2 =	sld [smem:$0x3F9C];
	s0 =	simm.s32 @p1 $0x1  }
0x15: {  	[smem:$0x3FB9] =	sst s0;
	s0 =	simm.s32 @!p2 $0x0  }
0x16: {  	s3 =	sld [smem:$0x3FDB];
	s0 =	simm.s32 @p2 $0x1  }
0x17: {  	s4 =	simm.s32 $0x1BF5;
	[smem:$0x3FBB] =	sst s0  }
0x18: {  	s0 =	sld [smem:$0x3F9E];
	_ =	swait.ge [sflag:s4], $0x0  }
0x19: {  	s7 =	sld [smem:$0x3F9F]  }
0x1a: {  	s8 =	sadd.s32 $0xFFFFE003, lr  }
0x1b: {  	s9 =	sadd.s32 $0xFFFFFEF7, lr;
	s5 =	simm.s32 $0xFFFFFFFF;
	p2 =	slt.u32 s8, $0xFFFFF086  }
0x1c: {  	p1 =	slt.u32 s9, $0xF7A;
	s5 =	simm.s32 @!p2 $0x0  }
0x1d: {  	s5 =	simm.s32 @p1 $0x1;
	p0 =	seq.s32 s7, s2  }
0x1e: {  	s7 =	smul.u32 @!p0 $0xF7A, s2;
	p2 =	seq.s32 @!p0 s5, $0x0  }
0x1f: {  	s9 =	smul.u32 $0xF7A, s1;
	s8 =	simm.s32 @!p0 $0x1BF5;
	p2 =	por !p2, p0  }
0x20: {  	[sflag:s8] =	ssyncset.s32 @!p0 $0xFFFFF086;
	s6 =	sadd.s32 @!p0 s3, s7;
	s7 =	simm.s32 @!p0 $0x108  }
0x21: {  	s3 =	sadd.s32 s3, s9;
	s6 =	sadd.s32 @!p0 $0x88, s6;
	s7 =	simm.s32 @p2 $0x1082  }
0x22: {  	[simem:s7], [sflag:s8] =	dma.local @!p0 [hbm:s6], $0xF7A  }
0x23: {  	s9 =	sor.u32 $0xD0000000, s2;
	s6 =	simm.s32 $0x108;
	_ =	swait.ge @!p0 [sflag:s8], $0x0  }
0x24: {  	s3 =	sadd.s32 $0x88, s3;
	s6 =	simm.s32 @!p1 $0x1082;
	[sflag:s4] =	ssyncset.s32 $0xFFFFF086  }
0x25: {  	[simem:s6], [sflag:s4] =	dma.local [hbm:s3], $0xF7A  }
0x26: {  	[smem:$0x3F9F] =	sst s1;
	(tag) =	ssettag s2;
	_ =	strace s9  }
0x27: {  	s1 =	sld [smem:$0x3FAF]  }
0x28: {  	s2 =	sld [smem:$0x3FB0]  }
0x29: {  	s4 =	sld [smem:$0x3FB2]  }
0x2a: {  	p0 =	seq.s32 s5, $0x0;
	s5 =	sld [smem:$0x3FB3]  }
0x2b: {  	s6 =	sld [smem:$0x3FB4]  }
0x2c: {  	s7 =	sld [smem:$0x3FB5]  }
0x2d: {  	s3 =	simm.s32 $0x108;
	s8 =	sld [smem:$0x3FB6]  }
0x2e: {  	s3 =	simm.s32 @!p0 $0x1082;
	s9 =	sld [smem:$0x3FB7]  }
0x2f: {  	lr =	sadd.s32 s0, s3;
	s0 =	sld [smem:$0x3FAE]  }
0x30: {  	s3 =	sld [smem:$0x3FB1]  }
0x31: {  	[smem:$0x3FBA] =	sst s10  }
0x32: {  	s10 =	sld [smem:$0x3FB8];
	_ =	sdelay $0x3  }
0x33: {  	p0 =	seq.s32 s10, $0x1;
	s10 =	sld [smem:$0x3FBA];
	_ =	sdelay $0x3  }
0x34: {  	[smem:$0x3FBA] =	sst s10  }
0x35: {  	s10 =	sld [smem:$0x3FB9];
	_ =	sdelay $0x3  }
0x36: {  	p1 =	seq.s32 s10, $0x1;
	s10 =	sld [smem:$0x3FBA];
	_ =	sdelay $0x3  }
0x37: {  	[smem:$0x3FBA] =	sst s10  }
0x38: {  	s10 =	sld [smem:$0x3FBB]  }
0x39: {  	_ = 	snop;
	(pc) =	sbr.ind lr, $3  }
0x3a: {  	_ = 	snop  }
0x3b: {  	_ = 	snop  }
0x3c: {  	p2 =	seq.s32 s10, $0x1;
	s10 =	sld [smem:$0x3FBA]  }
0x3d: {  	_ =	shalt  }
0x3e: {  	_ =	shalt  }
0x3f: {  	_ =	shalt  }
0x40: {  	_ =	shalt  }
0x41: {  	_ =	shalt  }
0x42: {  	_ =	shalt  }
0x43: {  	_ =	shalt  }
0x44: {  	_ =	shalt  }
0x45: {  	_ =	shalt  }
0x46: {  	_ =	shalt  }
0x47: {  	_ =	shalt  }
0x48: {  	_ =	shalt  }
0x49: {  	_ =	shalt  }
0x4a: {  	_ =	shalt  }
0x4b: {  	_ =	shalt  }
0x4c: {  	_ =	shalt  }
0x4d: {  	_ =	shalt  }
0x4e: {  	_ =	shalt  }
0x4f: {  	_ =	shalt  }
0x50: {  	_ =	shalt  }
0x51: {  	_ =	shalt  }
0x52: {  	_ =	shalt  }
0x53: {  	_ =	shalt  }
0x54: {  	_ =	shalt  }
0x55: {  	_ =	shalt  }
0x56: {  	_ =	shalt  }
0x57: {  	_ =	shalt  }
0x58: {  	_ =	shalt  }
0x59: {  	_ =	shalt  }
0x5a: {  	_ =	shalt  }
0x5b: {  	_ =	shalt  }
0x5c: {  	_ =	shalt  }
0x5d: {  	_ =	shalt  }
0x5e: {  	_ =	shalt  }
0x5f: {  	_ =	shalt  }
0x60: {  	_ =	shalt  }
0x61: {  	_ =	shalt  }
0x62: {  	_ =	shalt  }
0x63: {  	_ =	shalt  }
0x64: {  	_ =	shalt  }
0x65: {  	_ =	shalt  }
0x66: {  	_ =	shalt  }
0x67: {  	_ =	shalt  }
0x68: {  	_ =	shalt  }
0x69: {  	_ =	shalt  }
0x6a: {  	_ =	shalt  }
0x6b: {  	_ =	shalt  }
0x6c: {  	_ =	shalt  }
0x6d: {  	_ =	shalt  }
0x6e: {  	_ =	shalt  }
0x6f: {  	_ =	shalt  }
0x70: {  	_ =	shalt  }
0x71: {  	_ =	shalt  }
0x72: {  	_ =	shalt  }
0x73: {  	_ =	shalt  }
0x74: {  	_ =	shalt  }
0x75: {  	_ =	shalt  }
0x76: {  	_ =	shalt  }
0x77: {  	_ =	shalt  }
0x78: {  	_ =	shalt  }
0x79: {  	_ =	shalt  }
0x7a: {  	_ =	shalt  }
0x7b: {  	_ =	shalt  }
0x7c: {  	_ =	shalt  }
0x7d: {  	_ =	shalt  }
0x7e: {  	_ =	shalt  }
0x7f: {  	_ =	shalt  }
0x80: {  	_ =	shalt  }
0x81: {  	_ =	shalt  }
0x82: {  	_ =	shalt  }
0x83: {  	_ =	shalt  }
0x84: {  	_ =	shalt  }
0x85: {  	_ =	shalt  }
0x86: {  	_ =	shalt  }
0x87: {  	_ =	shalt  }
.Lfunc_end0:
.L_simem_size_0:
called_computation_lowered:
.L_overlay_start_0:
0x88: {  	s2 =	sld [smem:$0x3FD9]  }
0x89: {  	s3 =	sld [smem:$0x3FFE];
	_ =	sdelay $0x1  }
0x8a: {  	s1 =	srdreg.scid  }
0x8b: {  	s0 =	sand.u32 $0x1, s1  }
0x8c: {  	s18 =	sshll.u32 s0, $0xA;
	s2 =	sadd.s32 s3, s2  }
0x8d: {  	s2 =	sadd.s32 s2, s18  }
0x8e: {  	[smem:$0x3FC6] =	sst s2  }
0x8f: {  	_ = 	snop  }
0x90: {  	s2 =	sld [smem:$0x3FC9]  }
0x91: {  	s19 =	sld [smem:$0x3FC8]  }
0x92: {  	s4 =	sld [smem:$0x3FD0];
	(tm) =	ssettm $0x1  }
0x93: {  	s5 =	sld [smem:$0x3FFB];
	_ =	sdelay $0x3  }
0x94: {  	_ =	strace s5  }
0x95: {  	s5 =	sld [smem:$0x3FFC];
	_ =	sdelay $0x3  }
0x96: {  	_ =	strace s5  }
0x97: {  	s5 =	sld [smem:$0x3FFD];
	_ =	sdelay $0x3  }
0x98: {  	_ =	strace s5  }
0x99: {  	_ =	strace $0x8FFFFFFF  }
0x9a: {  	s20 =	sld [smem:$0x3FDB];
	_ =	sdelay $0x1  }
0x9b: {  	s6 =	simm.s32 $_scs_section_size  }
0x9c: {  	s7 =	simm.s32 $_size__tile_overlayer_lowered;
	s8 =	simm.s32 $_tile_overlayer_lowered  }
0x9d: {  	s23 =	simm.s32 $0x1BFF;
	s22 =	sshll.u32 s8, $0x1;
	s5 =	sadd.s32 s6, s20  }
0x9e: {  	s9 =	simm.s32 $0x0;
	s21 =	sshll.u32 s7, $0x1;
	s7 =	sadd.s32 s22, s5  }
0x9f: {  	[timem:s9], [sflag:s23] =	dma.local [hbm:s7], s21  }
0xa0: {  	_ =	swait.ge [sflag:s23], s21  }
0xa1: {  	s6 =	ssub.s32 $0x0, s21;
	[sflag:s23] =	ssyncset.done $0x0  }
0xa2: {  	[sflag:s23] =	ssyncadd.s32 s6;
	_ =	sdelay $0x1  }
0xa3: {  	s24 =	simm.s32 $0x1B8B  }
0xa4: {  	_ =	swait.ge [sflag:s24], $0x1  }
0xa5: {  	[sflag:s24] =	ssyncset.done $0x0  }
0xa6: {  	s25 =	simm.s32 $0x1B8E;
	[sflag:s24] =	ssyncadd.s32 $0xFFFFFFFF  }
0xa7: {  	s26 =	simm.s32 $execute0_lowered;
	[smem:$0x3FD2] =	sst s25  }
0xa8: {  	s6 =	sshll.u32 s26, $0x1;
	_ =	strace $0x80000046;
	[dreg:$0x1] =	wrdreg $0xFFFFFFFF  }
0xa9: {  	s28 =	simm.s32 $_size_execute0_lowered;
	s5 =	sadd.s32 s5, s6;
	[dreg:$0x0] =	wrdreg $0x0  }
0xaa: {  	s6 =	sshll.u32 s28, $0x1;
	[dreg:$0x2] =	wrdreg s5  }
0xab: {  	[dreg:$0x3] =	wrdreg s6  }
0xac: {  	[dreg:$0x4] =	wrdreg $0xC0  }
0xad: {  	_ =	task [dreg:s9], $0x5FFFF  }
0xae: {  	[dreg:$0x1] =	wrdreg $0xFFFFFFFF  }
0xaf: {  	[dreg:$0x0] =	wrdreg $0x60  }
0xb0: {  	[dreg:$0x2] =	wrdreg s2  }
0xb1: {  	[dreg:$0x3] =	wrdreg s19  }
0xb2: {  	[dreg:$0x4] =	wrdreg s4  }
0xb3: {  	[dreg:$0x5] =	wrdreg $0x9  }
0xb4: {  	_ =	task.clear_ibuf [dreg:s9], $0x6FFFF;
	_ =	strace $0x90000046  }
0xb5: {  	s29 =	simm.s32 $0x9;
	_ =	strace $0x80000048  }
0xb6: {  	_ =	swait.ge [sflag:s29], $0x1  }
0xb7: {  	[sflag:s29] =	ssyncadd.s32 $0xFFFFFFFF  }
0xb8: {  	_ =	strace $0x90000048  }
0xb9: {  	_ =	sfence  }
0xba: {  	s30 =	sld [smem:$0x0];
	_ =	sdelay $0x2  }
0xbb: {  	s31 =	sshll.u32 s1, $0xD;
	s1 =	sshrl.u32 s1, $0x2  }
0xbc: {  	s3 =	sand.u32 $0x4000, s31;
	s1 =	sadd.s32 s1, s30  }
0xbd: {  	s0 =	sor.u32 s3, s0;
	s1 =	sshll.u32 s1, $0x11  }
0xbe: {  	s0 =	sor.u32 s1, s0  }
0xbf: {  	s0 =	sadd.s32 $0x8F2B, s0  }
0xc0: {  	[sflag:s0] =	ssyncadd.remote.s32 $0x1  }
0xc1: {  	_ =	sfence.sel $0xFFFF  }
0xc2: {  	[dreg:$0x0] =	wrdreg $0xFFFFFFFF;
	(pc) =	sbr.abs _section_cstart, $3  }
0xc3: {  	[dreg:$0x1] =	wrdreg $0xFFFFFFFF  }
0xc4: {  	_ =	task.clear_ibuf [dreg:s9], $0x2FFFF;
	_ =	strace $0x9FFFFFFF  }
0xc5: {  	(tm) =	ssettm $0x7FFFFFFF  }
tec
execute0_lowered:
.L_overlay_start_1:
0x0: {  	(tag) =	ssettag $0x1  }
0x1: {  	s1 =	rddreg [dreg:$0x0]  }
0x2: {  	s0 =	srdreg.scid;
	s7 =	rddreg [dreg:$0x1]  }
0x3: {  	s2 =	stileid.u32;
	s4 =	rddreg [dreg:$0x2]  }
0x4: {  	s5 =	simm.s32 $0x0;
	s20 =	simm.s32 $0x3;
	s21 =	simm.s32 $0x4000  }
0x5: {  	s22 =	simm.s32 $0x1;
	s23 =	simm.s32 $0x5;
	s24 =	simm.s32 $0x2  }
0x6: {  	s25 =	simm.s32 $0x6;
	s0 =	sand.u32 $0x1, s0;
	s2 =	sshll.u32 s2, $0x8  }
0x7: {  	[smem:$0x7FF] =	sst s5;
	s29 =	sadd.s32 $0x100000, s1;
	s30 =	sadd.s32 $0x180000, s1  }
0x8: {  	s3 =	sshll.u32 s0, $0x7;
	s0 =	ssub.s32 $0x2, s0;
	_ =	strace $0x80000047  }
0x9: {  	[dreg:$0x6] =	wrdreg s29;
	s6 =	sor.u32 s3, s2;
	s26 =	sshrl.u32 s0, $0x1  }
0xa: {  	[dreg:$0x7] =	wrdreg s30;
	s3 =	sshll.u32 s6, $0x7;
	s0 =	ssub.s32 s0, s26  }
0xb: {  	s12 =	sor.u32 $0x1000, s6;
	s14 =	sor.u32 $0x2000, s6;
	s15 =	sor.u32 $0x3000, s6  }
0xc: {  	s8 =	sadd.s32 s1, s3;
	[dreg:$0x4] =	wrdreg s3;
	s0 =	smax.u32 s0, $0x1  }
0xd: {  	s31 =	sshll.u32 s12, $0x7;
	s28 =	sadd.s32 $0x80000, s8;
	[dreg:$0x9] =	wrdreg s0  }
0xe: {  	s26 =	simm.s32 $0x4;
	s2 =	sadd.s32 s1, s31;
	[dreg:$0x5] =	wrdreg s28  }
0xf: {  	s9 =	sadd.s32 s7, s3;
	[dreg:$0x8] =	wrdreg s2;
	s2 =	simm.s32 $0x0  }
.LBB2_1:
0x10: {  	s0 =	simm.s32 $0x8000  }
0x11: {  	[tilespmem:s0], [sflag:$0x3] =	stream.linear.gather [hbm4b:s9+s5], $0x4000, $0x38;
	[tilespmem:$0x10000] =	vst v63  }
0x12: {  	[dreg:$0xa] =	wrdreg s2;
	s29 =	simm.s32 $0x0  }
0x13: {  	[tilespmem:s5], [sflag:$0x1] =	stream.linear.gather [hbm4b:s8+s5], $0x4000, $0x38;
	[tilespmem:$0x10000] =	vst v63  }
.LBB2_2:
0x14: {  	s30 =	sshllo.u32 s29, $0x1  }
0x15: {  	s0 =	rddreg [dreg:$0x4];
	s31 =	sshll.u32 s30, $0xB  }
0x16: {  	s2 =	rddreg [dreg:$0x1];
	s0 =	sor.u32 s0, s31  }
0x17: {  	s3 =	simm.s32 $0xC000;
	s2 =	sadd.s32 s2, s0  }
0x18: {  	[tilespmem:s3], [sflag:$0x4] =	stream.linear.gather [hbm4b:s2+s5], $0x4000, $0x38;
	[tilespmem:$0x10000] =	vst v63  }
0x19: {  	_ =	swait.ge [sflag:s20], $0x4000  }
0x1a: {  	p0 =	seq.s32 s29, $0x0;
	[sflag:s20] =	ssyncset.done $0x0  }
0x1b: {  	s2 =	simm.s32 @!p0 $0x6;
	[sflag:s20] =	ssyncadd.s32 $0xFFFFC000  }
0x1c: {  	_ =	swait.ge @!p0 [sflag:s2], $0x4000  }
0x1d: {  	s19 =	sshll.u32 s29, $0xC;
	[sflag:s2] =	ssyncset.done @!p0 $0x0;
	s28 =	rddreg [dreg:$0x5]  }
0x1e: {  	s17 =	simm.s32 $0x0;
	[sflag:s2] =	ssyncadd.s32 @!p0 $0xFFFFC000;
	s2 =	sadd.s32 s19, s28  }
0x1f: {  	[tilespmem:s21], [sflag:$0x2] =	stream.linear.gather [hbm4b:s2+s17], $0x4000, $0x38;
	[tilespmem:$0x10000] =	vst v63  }
0x20: {  	_ =	swait.ge [sflag:s22], $0x4000  }
0x21: {  	s18 =	simm.s32 $0x0;
	[sflag:s22] =	ssyncset.done $0x0  }
0x22: {  	s3 =	simm.s32 $0x0;
	s2 =	sshll.u32 s29, $0x1;
	[sflag:s22] =	ssyncadd.s32 $0xFFFFC000  }
.LBB2_3:
0x23: {  	s7 =	sand.u32 $0x7, s3  }
0x24: {  	s7 =	sshll.u32 s7, $0x9  }
0x25: {  	s7 =	sshrl.u32 s7, $0x2  }
0x26: {  	v0 =	vmov s7;
	_ =	sdelay $0x2  }
0x27: {  	s19 =	sand.u32 $0x3FFFE000, s17  }
0x28: {  	s11 =	sadd.s32 $0x8040, s19  }
0x29: {  	v1 =	vld.idx.msk [tilespmem:v0+s11+$0x30 ss:$0x1], $0xffff  }
0x2a: {  	v2 =	vld.idx.msk [tilespmem:v0+s11+$0xFFFFFFD0 ss:$0x1], $0xffff  }
0x2b: {  	v3 =	vld.idx.msk [tilespmem:v0+s11+$0xFFFFFFE0 ss:$0x1], $0xffff  }
0x2c: {  	v4 =	vld.idx.msk [tilespmem:v0+s11+$0xFFFFFFF0 ss:$0x1], $0xffff  }
0x2d: {  	v5 =	vld.idx.msk [tilespmem:v0+s11+$0x0 ss:$0x1], $0xffff  }
0x2e: {  	v6 =	vld.idx.msk [tilespmem:v0+s11+$0x10 ss:$0x1], $0xffff  }
0x2f: {  	s13 =	sadd.s32 s7, s19;
	v7 =	vld.idx.msk [tilespmem:v0+s11+$0xFFFFFFC0 ss:$0x1], $0xffff  }
0x30: {  	[tilespmem:s13+$0x70] =	vst.add.f32.msk $0xffff, v1  }
0x31: {  	v1 =	vld.idx.msk [tilespmem:v0+s11+$0x20 ss:$0x1], $0xffff  }
0x32: {  	[tilespmem:s13+$0x10] =	vst.add.f32.msk $0xffff, v2  }
0x33: {  	[tilespmem:s13+$0x20] =	vst.add.f32.msk $0xffff, v3  }
0x34: {  	[tilespmem:s13+$0x30] =	vst.add.f32.msk $0xffff, v4  }
0x35: {  	[tilespmem:s13+$0x40] =	vst.add.f32.msk $0xffff, v5  }
0x36: {  	[tilespmem:s13+$0x50] =	vst.add.f32.msk $0xffff, v6  }
0x37: {  	[tilespmem:s13+$0x0] =	vst.add.f32.msk $0xffff, v7  }
0x38: {  	s10 =	simm.s32 $0x0;
	s11 =	sadd.s32 $0x400, s11;
	[tilespmem:s13+$0x60] =	vst.add.f32.msk $0xffff, v1  }
.LBB2_4:
0x39: {  	v1 =	vld.idx.msk [tilespmem:v0+s11+$0x30 ss:$0x1], $0xffff;
	s10 =	sadd.s32 $0x8, s10  }
0x3a: {  	v2 =	vld.idx.msk [tilespmem:v0+s11+$0xFFFFFFD0 ss:$0x1], $0xffff;
	p0 =	slt.u32 s10, $0x38  }
0x3b: {  	v3 =	vld.idx.msk [tilespmem:v0+s11+$0xFFFFFFE0 ss:$0x1], $0xffff  }
0x3c: {  	v4 =	vld.idx.msk [tilespmem:v0+s11+$0xFFFFFFF0 ss:$0x1], $0xffff  }
0x3d: {  	s19 =	sadd.s32 $0x400, s19;
	v5 =	vld.idx.msk [tilespmem:v0+s11+$0x0 ss:$0x1], $0xffff  }
0x3e: {  	s13 =	sadd.s32 s7, s19;
	v6 =	vld.idx.msk [tilespmem:v0+s11+$0x10 ss:$0x1], $0xffff  }
0x3f: {  	[tilespmem:s13+$0x70] =	vst.add.f32.msk $0xffff, v1  }
0x40: {  	v1 =	vld.idx.msk [tilespmem:v0+s11+$0x20 ss:$0x1], $0xffff  }
0x41: {  	v7 =	vld.idx.msk [tilespmem:v0+s11+$0xFFFFFFC0 ss:$0x1], $0xffff  }
0x42: {  	[tilespmem:s13+$0x10] =	vst.add.f32.msk $0xffff, v2  }
0x43: {  	[tilespmem:s13+$0x20] =	vst.add.f32.msk $0xffff, v3  }
.Ltmp0:
0x44: {  	[tilespmem:s13+$0x30] =	vst.add.f32.msk $0xffff, v4;
	(pc) =	sbr.rel @p0 .LBB2_4-.Ltmp0, $4  }
0x45: {  	[tilespmem:s13+$0x40] =	vst.add.f32.msk $0xffff, v5  }
0x46: {  	[tilespmem:s13+$0x50] =	vst.add.f32.msk $0xffff, v6  }
0x47: {  	[tilespmem:s13+$0x0] =	vst.add.f32.msk $0xffff, v7  }
0x48: {  	s11 =	sadd.s32 $0x400, s11;
	[tilespmem:s13+$0x60] =	vst.add.f32.msk $0xffff, v1  }
0x49: {  	s18 =	sadd.s32 $0x1, s18  }
0x4a: {  	p0 =	sne.s32 s18, $0x10  }
.Ltmp1:
0x4b: {  	_ = 	snop;
	(pc) =	sbr.rel @p0 .LBB2_3-.Ltmp1, $2  }
0x4c: {  	_ =	sdelay $0x2  }
0x4d: {  	s3 =	sadd.s32 $0x1, s3;
	s17 =	sadd.s32 $0x400, s17  }
0x4e: {  	s18 =	sshll.u32 s29, $0x5  }
0x4f: {  	s3 =	sor.u32 s6, s18  }
0x50: {  	s17 =	sshll.u32 s3, $0x7  }
0x51: {  	s28 =	simm.s32 $0x0;
	s3 =	sadd.s32 s4, s17  }
0x52: {  	[hbm4b:s3+s28] =	stream.linear.scatter [tilespmem:s28], [sflag:$0x5], $0x4000, $0x38;
	[tilespmem:$0x10000] =	vst v63  }
0x53: {  	_ =	swait.ge [sflag:s23], $0x4000  }
0x54: {  	[sflag:s23] =	ssyncset.done $0x0;
	s19 =	rddreg [dreg:$0x6]  }
0x55: {  	[sflag:s23] =	ssyncadd.s32 $0xFFFFC000;
	s3 =	sadd.s32 s17, s19  }
0x56: {  	[tilespmem:s28], [sflag:$0x1] =	stream.linear.gather [hbm4b:s3+s28], $0x4000, $0x38;
	[tilespmem:$0x10000] =	vst v63  }
0x57: {  	_ =	swait.ge [sflag:s24], $0x4000  }
0x58: {  	[sflag:s24] =	ssyncset.done $0x0  }
0x59: {  	s19 =	simm.s32 $0x0;
	s3 =	simm.s32 $0x0;
	[sflag:s24] =	ssyncadd.s32 $0xFFFFC000  }
.LBB2_7:
0x5a: {  	s7 =	sand.u32 $0x7, s3  }
0x5b: {  	s7 =	sshll.u32 s7, $0x9  }
0x5c: {  	s7 =	sshrl.u32 s7, $0x2  }
0x5d: {  	v0 =	vmov s7;
	_ =	sdelay $0x2  }
0x5e: {  	s10 =	sand.u32 $0x3FFFE000, s28  }
0x5f: {  	s13 =	sadd.s32 $0x8040, s10  }
0x60: {  	v1 =	vld.idx.msk [tilespmem:v0+s13+$0x30 ss:$0x1], $0xffff  }
0x61: {  	v2 =	vld.idx.msk [tilespmem:v0+s13+$0xFFFFFFD0 ss:$0x1], $0xffff  }
0x62: {  	v3 =	vld.idx.msk [tilespmem:v0+s13+$0xFFFFFFE0 ss:$0x1], $0xffff  }
0x63: {  	v4 =	vld.idx.msk [tilespmem:v0+s13+$0xFFFFFFF0 ss:$0x1], $0xffff  }
0x64: {  	v5 =	vld.idx.msk [tilespmem:v0+s13+$0x0 ss:$0x1], $0xffff  }
0x65: {  	s10 =	sadd.s32 $0x4000, s10;
	v6 =	vld.idx.msk [tilespmem:v0+s13+$0x10 ss:$0x1], $0xffff  }
0x66: {  	s16 =	sadd.s32 s7, s10;
	v7 =	vld.idx.msk [tilespmem:v0+s13+$0xFFFFFFC0 ss:$0x1], $0xffff  }
0x67: {  	[tilespmem:s16+$0x70] =	vst.add.f32.msk $0xffff, v1  }
0x68: {  	v1 =	vld.idx.msk [tilespmem:v0+s13+$0x20 ss:$0x1], $0xffff  }
0x69: {  	[tilespmem:s16+$0x10] =	vst.add.f32.msk $0xffff, v2  }
0x6a: {  	[tilespmem:s16+$0x20] =	vst.add.f32.msk $0xffff, v3  }
0x6b: {  	[tilespmem:s16+$0x30] =	vst.add.f32.msk $0xffff, v4  }
0x6c: {  	[tilespmem:s16+$0x40] =	vst.add.f32.msk $0xffff, v5  }
0x6d: {  	[tilespmem:s16+$0x50] =	vst.add.f32.msk $0xffff, v6  }
0x6e: {  	[tilespmem:s16+$0x0] =	vst.add.f32.msk $0xffff, v7  }
0x6f: {  	s11 =	simm.s32 $0x0;
	s13 =	sadd.s32 $0x400, s13;
	[tilespmem:s16+$0x60] =	vst.add.f32.msk $0xffff, v1  }
.LBB2_8:
0x70: {  	v1 =	vld.idx.msk [tilespmem:v0+s13+$0x30 ss:$0x1], $0xffff;
	s11 =	sadd.s32 $0x8, s11  }
0x71: {  	v2 =	vld.idx.msk [tilespmem:v0+s13+$0xFFFFFFD0 ss:$0x1], $0xffff;
	p0 =	slt.u32 s11, $0x38  }
0x72: {  	v3 =	vld.idx.msk [tilespmem:v0+s13+$0xFFFFFFE0 ss:$0x1], $0xffff  }
0x73: {  	v4 =	vld.idx.msk [tilespmem:v0+s13+$0xFFFFFFF0 ss:$0x1], $0xffff  }
0x74: {  	s10 =	sadd.s32 $0x400, s10;
	v5 =	vld.idx.msk [tilespmem:v0+s13+$0x0 ss:$0x1], $0xffff  }
0x75: {  	s16 =	sadd.s32 s7, s10;
	v6 =	vld.idx.msk [tilespmem:v0+s13+$0x10 ss:$0x1], $0xffff  }
0x76: {  	[tilespmem:s16+$0x70] =	vst.add.f32.msk $0xffff, v1  }
0x77: {  	v1 =	vld.idx.msk [tilespmem:v0+s13+$0x20 ss:$0x1], $0xffff  }
0x78: {  	v7 =	vld.idx.msk [tilespmem:v0+s13+$0xFFFFFFC0 ss:$0x1], $0xffff  }
0x79: {  	[tilespmem:s16+$0x10] =	vst.add.f32.msk $0xffff, v2  }
0x7a: {  	[tilespmem:s16+$0x20] =	vst.add.f32.msk $0xffff, v3  }
.Ltmp2:
0x7b: {  	[tilespmem:s16+$0x30] =	vst.add.f32.msk $0xffff, v4;
	(pc) =	sbr.rel @p0 .LBB2_8-.Ltmp2, $4  }
0x7c: {  	[tilespmem:s16+$0x40] =	vst.add.f32.msk $0xffff, v5  }
0x7d: {  	[tilespmem:s16+$0x50] =	vst.add.f32.msk $0xffff, v6  }
0x7e: {  	[tilespmem:s16+$0x0] =	vst.add.f32.msk $0xffff, v7  }
0x7f: {  	s13 =	sadd.s32 $0x400, s13;
	[tilespmem:s16+$0x60] =	vst.add.f32.msk $0xffff, v1  }
0x80: {  	s19 =	sadd.s32 $0x1, s19  }
0x81: {  	p0 =	sne.s32 s19, $0x10  }
.Ltmp3:
0x82: {  	_ = 	snop;
	(pc) =	sbr.rel @p0 .LBB2_7-.Ltmp3, $2  }
0x83: {  	_ =	sdelay $0x2  }
0x84: {  	s3 =	sadd.s32 $0x1, s3;
	s28 =	sadd.s32 $0x400, s28  }
0x85: {  	s3 =	sadd.s32 s12, s18  }
0x86: {  	s3 =	sshll.u32 s3, $0x7  }
0x87: {  	s28 =	simm.s32 $0x0;
	s3 =	sadd.s32 s4, s3  }
0x88: {  	[hbm4b:s3+s28] =	stream.linear.scatter [tilespmem:s21], [sflag:$0x6], $0x4000, $0x38;
	[tilespmem:$0x10000] =	vst v63  }
0x89: {  	_ =	swait.ge [sflag:s25], $0x4000  }
0x8a: {  	[sflag:s25] =	ssyncset.done $0x0;
	s19 =	rddreg [dreg:$0x7]  }
0x8b: {  	[sflag:s25] =	ssyncadd.s32 $0xFFFFC000;
	s3 =	sadd.s32 s17, s19  }
0x8c: {  	[tilespmem:s21], [sflag:$0x2] =	stream.linear.gather [hbm4b:s3+s28], $0x4000, $0x38;
	[tilespmem:$0x10000] =	vst v63  }
0x8d: {  	_ =	swait.ge [sflag:s22], $0x4000  }
0x8e: {  	[sflag:s22] =	ssyncset.done $0x0  }
0x8f: {  	s17 =	simm.s32 $0x0;
	s3 =	simm.s32 $0x0;
	[sflag:s22] =	ssyncadd.s32 $0xFFFFC000  }
.LBB2_11:
0x90: {  	s7 =	sand.u32 $0x7, s3  }
0x91: {  	s7 =	sshll.u32 s7, $0x9  }
0x92: {  	s7 =	sshrl.u32 s7, $0x2  }
0x93: {  	v0 =	vmov s7;
	_ =	sdelay $0x2  }
0x94: {  	s19 =	sand.u32 $0x3FFFE000, s28  }
0x95: {  	s11 =	sadd.s32 $0x8040, s19  }
0x96: {  	v1 =	vld.idx.msk [tilespmem:v0+s11+$0x30 ss:$0x1], $0xffff  }
0x97: {  	v2 =	vld.idx.msk [tilespmem:v0+s11+$0xFFFFFFD0 ss:$0x1], $0xffff  }
0x98: {  	v3 =	vld.idx.msk [tilespmem:v0+s11+$0xFFFFFFE0 ss:$0x1], $0xffff  }
0x99: {  	v4 =	vld.idx.msk [tilespmem:v0+s11+$0xFFFFFFF0 ss:$0x1], $0xffff  }
0x9a: {  	v5 =	vld.idx.msk [tilespmem:v0+s11+$0x0 ss:$0x1], $0xffff  }
0x9b: {  	v6 =	vld.idx.msk [tilespmem:v0+s11+$0x10 ss:$0x1], $0xffff  }
0x9c: {  	s13 =	sadd.s32 s7, s19;
	v7 =	vld.idx.msk [tilespmem:v0+s11+$0xFFFFFFC0 ss:$0x1], $0xffff  }
0x9d: {  	[tilespmem:s13+$0x70] =	vst.add.f32.msk $0xffff, v1  }
0x9e: {  	v1 =	vld.idx.msk [tilespmem:v0+s11+$0x20 ss:$0x1], $0xffff  }
0x9f: {  	[tilespmem:s13+$0x10] =	vst.add.f32.msk $0xffff, v2  }
0xa0: {  	[tilespmem:s13+$0x20] =	vst.add.f32.msk $0xffff, v3  }
0xa1: {  	[tilespmem:s13+$0x30] =	vst.add.f32.msk $0xffff, v4  }
0xa2: {  	[tilespmem:s13+$0x40] =	vst.add.f32.msk $0xffff, v5  }
0xa3: {  	[tilespmem:s13+$0x50] =	vst.add.f32.msk $0xffff, v6  }
0xa4: {  	[tilespmem:s13+$0x0] =	vst.add.f32.msk $0xffff, v7  }
0xa5: {  	s10 =	simm.s32 $0x0;
	s11 =	sadd.s32 $0x400, s11;
	[tilespmem:s13+$0x60] =	vst.add.f32.msk $0xffff, v1  }
.LBB2_12:
0xa6: {  	v1 =	vld.idx.msk [tilespmem:v0+s11+$0x30 ss:$0x1], $0xffff;
	s10 =	sadd.s32 $0x8, s10  }
0xa7: {  	v2 =	vld.idx.msk [tilespmem:v0+s11+$0xFFFFFFD0 ss:$0x1], $0xffff;
	p0 =	slt.u32 s10, $0x38  }
0xa8: {  	v3 =	vld.idx.msk [tilespmem:v0+s11+$0xFFFFFFE0 ss:$0x1], $0xffff  }
0xa9: {  	v4 =	vld.idx.msk [tilespmem:v0+s11+$0xFFFFFFF0 ss:$0x1], $0xffff  }
0xaa: {  	s19 =	sadd.s32 $0x400, s19;
	v5 =	vld.idx.msk [tilespmem:v0+s11+$0x0 ss:$0x1], $0xffff  }
0xab: {  	s13 =	sadd.s32 s7, s19;
	v6 =	vld.idx.msk [tilespmem:v0+s11+$0x10 ss:$0x1], $0xffff  }
0xac: {  	[tilespmem:s13+$0x70] =	vst.add.f32.msk $0xffff, v1  }
0xad: {  	v1 =	vld.idx.msk [tilespmem:v0+s11+$0x20 ss:$0x1], $0xffff  }
0xae: {  	v7 =	vld.idx.msk [tilespmem:v0+s11+$0xFFFFFFC0 ss:$0x1], $0xffff  }
0xaf: {  	[tilespmem:s13+$0x10] =	vst.add.f32.msk $0xffff, v2  }
0xb0: {  	[tilespmem:s13+$0x20] =	vst.add.f32.msk $0xffff, v3  }
.Ltmp4:
0xb1: {  	[tilespmem:s13+$0x30] =	vst.add.f32.msk $0xffff, v4;
	(pc) =	sbr.rel @p0 .LBB2_12-.Ltmp4, $4  }
0xb2: {  	[tilespmem:s13+$0x40] =	vst.add.f32.msk $0xffff, v5  }
0xb3: {  	[tilespmem:s13+$0x50] =	vst.add.f32.msk $0xffff, v6  }
0xb4: {  	[tilespmem:s13+$0x0] =	vst.add.f32.msk $0xffff, v7  }
0xb5: {  	s11 =	sadd.s32 $0x400, s11;
	[tilespmem:s13+$0x60] =	vst.add.f32.msk $0xffff, v1  }
0xb6: {  	s17 =	sadd.s32 $0x1, s17  }
0xb7: {  	p0 =	sne.s32 s17, $0x10  }
.Ltmp5:
0xb8: {  	_ = 	snop;
	(pc) =	sbr.rel @p0 .LBB2_11-.Ltmp5, $2  }
0xb9: {  	_ =	sdelay $0x2  }
0xba: {  	s3 =	sadd.s32 $0x1, s3;
	s28 =	sadd.s32 $0x400, s28  }
0xbb: {  	s3 =	sadd.s32 s14, s18  }
0xbc: {  	s3 =	sshll.u32 s3, $0x7  }
0xbd: {  	s17 =	simm.s32 $0x0;
	s3 =	sadd.s32 s4, s3  }
0xbe: {  	[hbm4b:s3+s17] =	stream.linear.scatter [tilespmem:s17], [sflag:$0x5], $0x4000, $0x38;
	[tilespmem:$0x10000] =	vst v63  }
0xbf: {  	_ =	swait.ge [sflag:s23], $0x4000  }
0xc0: {  	[sflag:s23] =	ssyncset.done $0x0  }
0xc1: {  	s0 =	sadd.s32 s1, s0;
	[sflag:s23] =	ssyncadd.s32 $0xFFFFC000  }
0xc2: {  	[tilespmem:s17], [sflag:$0x1] =	stream.linear.gather [hbm4b:s0+s17], $0x4000, $0x38;
	[tilespmem:$0x10000] =	vst v63  }
0xc3: {  	_ =	swait.ge [sflag:s24], $0x4000  }
0xc4: {  	[sflag:s24] =	ssyncset.done $0x0  }
0xc5: {  	s3 =	simm.s32 $0x0;
	s0 =	simm.s32 $0x0;
	[sflag:s24] =	ssyncadd.s32 $0xFFFFC000  }
.LBB2_15:
0xc6: {  	s7 =	sand.u32 $0x7, s0  }
0xc7: {  	s7 =	sshll.u32 s7, $0x9  }
0xc8: {  	s7 =	sshrl.u32 s7, $0x2  }
0xc9: {  	v0 =	vmov s7;
	_ =	sdelay $0x2  }
0xca: {  	s10 =	sand.u32 $0x3FFFE000, s17  }
0xcb: {  	s13 =	sadd.s32 $0x8040, s10  }
0xcc: {  	v1 =	vld.idx.msk [tilespmem:v0+s13+$0x30 ss:$0x1], $0xffff  }
0xcd: {  	v2 =	vld.idx.msk [tilespmem:v0+s13+$0xFFFFFFD0 ss:$0x1], $0xffff  }
0xce: {  	v3 =	vld.idx.msk [tilespmem:v0+s13+$0xFFFFFFE0 ss:$0x1], $0xffff  }
0xcf: {  	v4 =	vld.idx.msk [tilespmem:v0+s13+$0xFFFFFFF0 ss:$0x1], $0xffff  }
0xd0: {  	v5 =	vld.idx.msk [tilespmem:v0+s13+$0x0 ss:$0x1], $0xffff  }
0xd1: {  	s10 =	sadd.s32 $0x4000, s10;
	v6 =	vld.idx.msk [tilespmem:v0+s13+$0x10 ss:$0x1], $0xffff  }
0xd2: {  	s16 =	sadd.s32 s7, s10;
	v7 =	vld.idx.msk [tilespmem:v0+s13+$0xFFFFFFC0 ss:$0x1], $0xffff  }
0xd3: {  	[tilespmem:s16+$0x70] =	vst.add.f32.msk $0xffff, v1  }
0xd4: {  	v1 =	vld.idx.msk [tilespmem:v0+s13+$0x20 ss:$0x1], $0xffff  }
0xd5: {  	[tilespmem:s16+$0x10] =	vst.add.f32.msk $0xffff, v2  }
0xd6: {  	[tilespmem:s16+$0x20] =	vst.add.f32.msk $0xffff, v3  }
0xd7: {  	[tilespmem:s16+$0x30] =	vst.add.f32.msk $0xffff, v4  }
0xd8: {  	[tilespmem:s16+$0x40] =	vst.add.f32.msk $0xffff, v5  }
0xd9: {  	[tilespmem:s16+$0x50] =	vst.add.f32.msk $0xffff, v6  }
0xda: {  	[tilespmem:s16+$0x0] =	vst.add.f32.msk $0xffff, v7  }
0xdb: {  	s11 =	simm.s32 $0x0;
	s13 =	sadd.s32 $0x400, s13;
	[tilespmem:s16+$0x60] =	vst.add.f32.msk $0xffff, v1  }
.LBB2_16:
0xdc: {  	v1 =	vld.idx.msk [tilespmem:v0+s13+$0x30 ss:$0x1], $0xffff;
	s11 =	sadd.s32 $0x8, s11  }
0xdd: {  	v2 =	vld.idx.msk [tilespmem:v0+s13+$0xFFFFFFD0 ss:$0x1], $0xffff;
	p0 =	slt.u32 s11, $0x38  }
0xde: {  	v3 =	vld.idx.msk [tilespmem:v0+s13+$0xFFFFFFE0 ss:$0x1], $0xffff  }
0xdf: {  	v4 =	vld.idx.msk [tilespmem:v0+s13+$0xFFFFFFF0 ss:$0x1], $0xffff  }
0xe0: {  	s10 =	sadd.s32 $0x400, s10;
	v5 =	vld.idx.msk [tilespmem:v0+s13+$0x0 ss:$0x1], $0xffff  }
0xe1: {  	s16 =	sadd.s32 s7, s10;
	v6 =	vld.idx.msk [tilespmem:v0+s13+$0x10 ss:$0x1], $0xffff  }
0xe2: {  	[tilespmem:s16+$0x70] =	vst.add.f32.msk $0xffff, v1  }
0xe3: {  	v1 =	vld.idx.msk [tilespmem:v0+s13+$0x20 ss:$0x1], $0xffff  }
0xe4: {  	v7 =	vld.idx.msk [tilespmem:v0+s13+$0xFFFFFFC0 ss:$0x1], $0xffff  }
0xe5: {  	[tilespmem:s16+$0x10] =	vst.add.f32.msk $0xffff, v2  }
0xe6: {  	[tilespmem:s16+$0x20] =	vst.add.f32.msk $0xffff, v3  }
.Ltmp6:
0xe7: {  	[tilespmem:s16+$0x30] =	vst.add.f32.msk $0xffff, v4;
	(pc) =	sbr.rel @p0 .LBB2_16-.Ltmp6, $4  }
0xe8: {  	[tilespmem:s16+$0x40] =	vst.add.f32.msk $0xffff, v5  }
0xe9: {  	[tilespmem:s16+$0x50] =	vst.add.f32.msk $0xffff, v6  }
0xea: {  	[tilespmem:s16+$0x0] =	vst.add.f32.msk $0xffff, v7  }
0xeb: {  	s13 =	sadd.s32 $0x400, s13;
	[tilespmem:s16+$0x60] =	vst.add.f32.msk $0xffff, v1  }
0xec: {  	s3 =	sadd.s32 $0x1, s3  }
0xed: {  	p0 =	sne.s32 s3, $0x10  }
.Ltmp7:
0xee: {  	_ = 	snop;
	(pc) =	sbr.rel @p0 .LBB2_15-.Ltmp7, $2  }
0xef: {  	_ =	sdelay $0x2  }
0xf0: {  	s0 =	sadd.s32 $0x1, s0;
	s17 =	sadd.s32 $0x400, s17  }
0xf1: {  	s0 =	sadd.s32 s15, s18  }
0xf2: {  	s0 =	sshll.u32 s0, $0x7  }
0xf3: {  	s2 =	sadd.s32 $0x2, s2;
	p0 =	seq.s32 s29, $0x3;
	s0 =	sadd.s32 s4, s0  }
0xf4: {  	[hbm4b:s0+s5] =	stream.linear.scatter [tilespmem:s21], [sflag:$0x6], $0x4000, $0x38;
	[tilespmem:$0x10000] =	vst v63  }
0xf5: {  	s0 =	sshll.u32 @!p0 s2, $0xB  }
0xf6: {  	s3 =	simm.s32 @!p0 $0x0;
	s7 =	simm.s32 @!p0 $0x8000;
	s0 =	sadd.s32 @!p0 s0, s9  }
0xf7: {  	[tilespmem:s7], [sflag:$0x3] =	stream.linear.gather @!p0 [hbm4b:s0+s3], $0x4000, $0x38;
	[tilespmem:$0x10000] =	vst v63  }
0xf8: {  	_ =	swait.ge [sflag:s26], $0x4000  }
0xf9: {  	[sflag:s26] =	ssyncset.done $0x0  }
0xfa: {  	[sflag:s26] =	ssyncadd.s32 $0xFFFFC000  }
0xfb: {  	_ =	swait.ge [sflag:s25], $0x4000  }
0xfc: {  	[sflag:s25] =	ssyncset.done $0x0;
	s28 =	rddreg [dreg:$0x8]  }
0xfd: {  	s0 =	simm.s32 $0x0;
	[sflag:s25] =	ssyncadd.s32 $0xFFFFC000;
	s31 =	sadd.s32 s31, s28  }
0xfe: {  	[tilespmem:s21], [sflag:$0x2] =	stream.linear.gather [hbm4b:s31+s0], $0x4000, $0x38;
	[tilespmem:$0x10000] =	vst v63  }
0xff: {  	_ =	swait.ge [sflag:s22], $0x4000  }
0x100: {  	[sflag:s22] =	ssyncset.done $0x0  }
0x101: {  	s17 =	simm.s32 $0x0;
	s3 =	simm.s32 $0x0;
	[sflag:s22] =	ssyncadd.s32 $0xFFFFC000  }
.LBB2_19:
0x102: {  	s7 =	sand.u32 $0x7, s3  }
0x103: {  	s7 =	sshll.u32 s7, $0x9  }
0x104: {  	s7 =	sshrl.u32 s7, $0x2  }
0x105: {  	v0 =	vmov s7;
	_ =	sdelay $0x2  }
0x106: {  	s18 =	sand.u32 $0x3FFFE000, s0  }
0x107: {  	s11 =	sadd.s32 $0xC040, s18  }
0x108: {  	v1 =	vld.idx.msk [tilespmem:v0+s11+$0x30 ss:$0x1], $0xffff  }
0x109: {  	v2 =	vld.idx.msk [tilespmem:v0+s11+$0xFFFFFFD0 ss:$0x1], $0xffff  }
0x10a: {  	v3 =	vld.idx.msk [tilespmem:v0+s11+$0xFFFFFFE0 ss:$0x1], $0xffff  }
0x10b: {  	v4 =	vld.idx.msk [tilespmem:v0+s11+$0xFFFFFFF0 ss:$0x1], $0xffff  }
0x10c: {  	v5 =	vld.idx.msk [tilespmem:v0+s11+$0x0 ss:$0x1], $0xffff  }
0x10d: {  	v6 =	vld.idx.msk [tilespmem:v0+s11+$0x10 ss:$0x1], $0xffff  }
0x10e: {  	s13 =	sadd.s32 s7, s18;
	v7 =	vld.idx.msk [tilespmem:v0+s11+$0xFFFFFFC0 ss:$0x1], $0xffff  }
0x10f: {  	[tilespmem:s13+$0x70] =	vst.add.f32.msk $0xffff, v1  }
0x110: {  	v1 =	vld.idx.msk [tilespmem:v0+s11+$0x20 ss:$0x1], $0xffff  }
0x111: {  	[tilespmem:s13+$0x10] =	vst.add.f32.msk $0xffff, v2  }
0x112: {  	[tilespmem:s13+$0x20] =	vst.add.f32.msk $0xffff, v3  }
0x113: {  	[tilespmem:s13+$0x30] =	vst.add.f32.msk $0xffff, v4  }
0x114: {  	[tilespmem:s13+$0x40] =	vst.add.f32.msk $0xffff, v5  }
0x115: {  	[tilespmem:s13+$0x50] =	vst.add.f32.msk $0xffff, v6  }
0x116: {  	[tilespmem:s13+$0x0] =	vst.add.f32.msk $0xffff, v7  }
0x117: {  	s10 =	simm.s32 $0x0;
	s11 =	sadd.s32 $0x400, s11;
	[tilespmem:s13+$0x60] =	vst.add.f32.msk $0xffff, v1  }
.LBB2_20:
0x118: {  	v1 =	vld.idx.msk [tilespmem:v0+s11+$0x30 ss:$0x1], $0xffff;
	s10 =	sadd.s32 $0x8, s10  }
0x119: {  	v2 =	vld.idx.msk [tilespmem:v0+s11+$0xFFFFFFD0 ss:$0x1], $0xffff;
	p0 =	slt.u32 s10, $0x38  }
0x11a: {  	v3 =	vld.idx.msk [tilespmem:v0+s11+$0xFFFFFFE0 ss:$0x1], $0xffff  }
0x11b: {  	v4 =	vld.idx.msk [tilespmem:v0+s11+$0xFFFFFFF0 ss:$0x1], $0xffff  }
0x11c: {  	s18 =	sadd.s32 $0x400, s18;
	v5 =	vld.idx.msk [tilespmem:v0+s11+$0x0 ss:$0x1], $0xffff  }
0x11d: {  	s13 =	sadd.s32 s7, s18;
	v6 =	vld.idx.msk [tilespmem:v0+s11+$0x10 ss:$0x1], $0xffff  }
0x11e: {  	[tilespmem:s13+$0x70] =	vst.add.f32.msk $0xffff, v1  }
0x11f: {  	v1 =	vld.idx.msk [tilespmem:v0+s11+$0x20 ss:$0x1], $0xffff  }
0x120: {  	v7 =	vld.idx.msk [tilespmem:v0+s11+$0xFFFFFFC0 ss:$0x1], $0xffff  }
0x121: {  	[tilespmem:s13+$0x10] =	vst.add.f32.msk $0xffff, v2  }
0x122: {  	[tilespmem:s13+$0x20] =	vst.add.f32.msk $0xffff, v3  }
.Ltmp8:
0x123: {  	[tilespmem:s13+$0x30] =	vst.add.f32.msk $0xffff, v4;
	(pc) =	sbr.rel @p0 .LBB2_20-.Ltmp8, $4  }
0x124: {  	[tilespmem:s13+$0x40] =	vst.add.f32.msk $0xffff, v5  }
0x125: {  	[tilespmem:s13+$0x50] =	vst.add.f32.msk $0xffff, v6  }
0x126: {  	[tilespmem:s13+$0x0] =	vst.add.f32.msk $0xffff, v7  }
0x127: {  	s11 =	sadd.s32 $0x400, s11;
	[tilespmem:s13+$0x60] =	vst.add.f32.msk $0xffff, v1  }
0x128: {  	s17 =	sadd.s32 $0x1, s17  }
0x129: {  	p0 =	sne.s32 s17, $0x10  }
.Ltmp9:
0x12a: {  	_ = 	snop;
	(pc) =	sbr.rel @p0 .LBB2_19-.Ltmp9, $2  }
0x12b: {  	_ =	sdelay $0x2  }
0x12c: {  	s3 =	sadd.s32 $0x1, s3;
	s0 =	sadd.s32 $0x400, s0  }
0x12d: {  	s18 =	sshll.u32 s30, $0x4  }
0x12e: {  	s0 =	sadd.s32 s6, s18  }
0x12f: {  	s0 =	sshll.u32 s0, $0x7  }
0x130: {  	s17 =	simm.s32 $0x0;
	s0 =	sadd.s32 s4, s0  }
0x131: {  	[hbm4b:s0+s17] =	stream.linear.scatter [tilespmem:s17], [sflag:$0x5], $0x4000, $0x38;
	[tilespmem:$0x10000] =	vst v63  }
0x132: {  	s31 =	sor.u32 s14, s18;
	_ =	swait.ge [sflag:s23], $0x4000  }
0x133: {  	s0 =	sshll.u32 s31, $0x7;
	[sflag:s23] =	ssyncset.done $0x0  }
0x134: {  	s3 =	sadd.s32 s1, s0;
	[sflag:s23] =	ssyncadd.s32 $0xFFFFC000  }
0x135: {  	[tilespmem:s17], [sflag:$0x1] =	stream.linear.gather [hbm4b:s3+s17], $0x4000, $0x38;
	[tilespmem:$0x10000] =	vst v63  }
0x136: {  	_ =	swait.ge [sflag:s24], $0x4000  }
0x137: {  	[sflag:s24] =	ssyncset.done $0x0  }
0x138: {  	s19 =	simm.s32 $0x0;
	s3 =	simm.s32 $0x0;
	[sflag:s24] =	ssyncadd.s32 $0xFFFFC000  }
.LBB2_23:
0x139: {  	s7 =	sand.u32 $0x7, s3  }
0x13a: {  	s7 =	sshll.u32 s7, $0x9  }
0x13b: {  	s7 =	sshrl.u32 s7, $0x2  }
0x13c: {  	v0 =	vmov s7;
	_ =	sdelay $0x2  }
0x13d: {  	s10 =	sand.u32 $0x3FFFE000, s17  }
0x13e: {  	s13 =	sadd.s32 $0xC040, s10  }
0x13f: {  	v1 =	vld.idx.msk [tilespmem:v0+s13+$0x30 ss:$0x1], $0xffff  }
0x140: {  	v2 =	vld.idx.msk [tilespmem:v0+s13+$0xFFFFFFD0 ss:$0x1], $0xffff  }
0x141: {  	v3 =	vld.idx.msk [tilespmem:v0+s13+$0xFFFFFFE0 ss:$0x1], $0xffff  }
0x142: {  	v4 =	vld.idx.msk [tilespmem:v0+s13+$0xFFFFFFF0 ss:$0x1], $0xffff  }
0x143: {  	v5 =	vld.idx.msk [tilespmem:v0+s13+$0x0 ss:$0x1], $0xffff  }
0x144: {  	s10 =	sadd.s32 $0x4000, s10;
	v6 =	vld.idx.msk [tilespmem:v0+s13+$0x10 ss:$0x1], $0xffff  }
0x145: {  	s16 =	sadd.s32 s7, s10;
	v7 =	vld.idx.msk [tilespmem:v0+s13+$0xFFFFFFC0 ss:$0x1], $0xffff  }
0x146: {  	[tilespmem:s16+$0x70] =	vst.add.f32.msk $0xffff, v1  }
0x147: {  	v1 =	vld.idx.msk [tilespmem:v0+s13+$0x20 ss:$0x1], $0xffff  }
0x148: {  	[tilespmem:s16+$0x10] =	vst.add.f32.msk $0xffff, v2  }
0x149: {  	[tilespmem:s16+$0x20] =	vst.add.f32.msk $0xffff, v3  }
0x14a: {  	[tilespmem:s16+$0x30] =	vst.add.f32.msk $0xffff, v4  }
0x14b: {  	[tilespmem:s16+$0x40] =	vst.add.f32.msk $0xffff, v5  }
0x14c: {  	[tilespmem:s16+$0x50] =	vst.add.f32.msk $0xffff, v6  }
0x14d: {  	[tilespmem:s16+$0x0] =	vst.add.f32.msk $0xffff, v7  }
0x14e: {  	s11 =	simm.s32 $0x0;
	s13 =	sadd.s32 $0x400, s13;
	[tilespmem:s16+$0x60] =	vst.add.f32.msk $0xffff, v1  }
.LBB2_24:
0x14f: {  	v1 =	vld.idx.msk [tilespmem:v0+s13+$0x30 ss:$0x1], $0xffff;
	s11 =	sadd.s32 $0x8, s11  }
0x150: {  	v2 =	vld.idx.msk [tilespmem:v0+s13+$0xFFFFFFD0 ss:$0x1], $0xffff;
	p0 =	slt.u32 s11, $0x38  }
0x151: {  	v3 =	vld.idx.msk [tilespmem:v0+s13+$0xFFFFFFE0 ss:$0x1], $0xffff  }
0x152: {  	v4 =	vld.idx.msk [tilespmem:v0+s13+$0xFFFFFFF0 ss:$0x1], $0xffff  }
0x153: {  	s10 =	sadd.s32 $0x400, s10;
	v5 =	vld.idx.msk [tilespmem:v0+s13+$0x0 ss:$0x1], $0xffff  }
0x154: {  	s16 =	sadd.s32 s7, s10;
	v6 =	vld.idx.msk [tilespmem:v0+s13+$0x10 ss:$0x1], $0xffff  }
0x155: {  	[tilespmem:s16+$0x70] =	vst.add.f32.msk $0xffff, v1  }
0x156: {  	v1 =	vld.idx.msk [tilespmem:v0+s13+$0x20 ss:$0x1], $0xffff  }
0x157: {  	v7 =	vld.idx.msk [tilespmem:v0+s13+$0xFFFFFFC0 ss:$0x1], $0xffff  }
0x158: {  	[tilespmem:s16+$0x10] =	vst.add.f32.msk $0xffff, v2  }
0x159: {  	[tilespmem:s16+$0x20] =	vst.add.f32.msk $0xffff, v3  }
.Ltmp10:
0x15a: {  	[tilespmem:s16+$0x30] =	vst.add.f32.msk $0xffff, v4;
	(pc) =	sbr.rel @p0 .LBB2_24-.Ltmp10, $4  }
0x15b: {  	[tilespmem:s16+$0x40] =	vst.add.f32.msk $0xffff, v5  }
0x15c: {  	[tilespmem:s16+$0x50] =	vst.add.f32.msk $0xffff, v6  }
0x15d: {  	[tilespmem:s16+$0x0] =	vst.add.f32.msk $0xffff, v7  }
0x15e: {  	s13 =	sadd.s32 $0x400, s13;
	[tilespmem:s16+$0x60] =	vst.add.f32.msk $0xffff, v1  }
0x15f: {  	s19 =	sadd.s32 $0x1, s19  }
0x160: {  	p0 =	sne.s32 s19, $0x10  }
.Ltmp11:
0x161: {  	_ = 	snop;
	(pc) =	sbr.rel @p0 .LBB2_23-.Ltmp11, $2  }
0x162: {  	_ =	sdelay $0x2  }
0x163: {  	s3 =	sadd.s32 $0x1, s3;
	s17 =	sadd.s32 $0x400, s17  }
0x164: {  	s3 =	sadd.s32 s12, s18  }
0x165: {  	s3 =	sshll.u32 s3, $0x7  }
0x166: {  	s17 =	simm.s32 $0x0;
	s3 =	sadd.s32 s4, s3  }
0x167: {  	[hbm4b:s3+s17] =	stream.linear.scatter [tilespmem:s21], [sflag:$0x6], $0x4000, $0x38;
	[tilespmem:$0x10000] =	vst v63  }
0x168: {  	s31 =	sor.u32 s15, s18;
	_ =	swait.ge [sflag:s25], $0x4000  }
0x169: {  	s18 =	sshll.u32 s31, $0x7;
	[sflag:s25] =	ssyncset.done $0x0  }
0x16a: {  	s3 =	sadd.s32 s1, s18;
	[sflag:s25] =	ssyncadd.s32 $0xFFFFC000  }
0x16b: {  	[tilespmem:s21], [sflag:$0x2] =	stream.linear.gather [hbm4b:s3+s17], $0x4000, $0x38;
	[tilespmem:$0x10000] =	vst v63  }
0x16c: {  	_ =	swait.ge [sflag:s22], $0x4000  }
0x16d: {  	[sflag:s22] =	ssyncset.done $0x0  }
0x16e: {  	s19 =	simm.s32 $0x0;
	s3 =	simm.s32 $0x0;
	[sflag:s22] =	ssyncadd.s32 $0xFFFFC000  }
.LBB2_27:
0x16f: {  	s7 =	sand.u32 $0x7, s3  }
0x170: {  	s7 =	sshll.u32 s7, $0x9  }
0x171: {  	s7 =	sshrl.u32 s7, $0x2  }
0x172: {  	v0 =	vmov s7;
	_ =	sdelay $0x2  }
0x173: {  	s28 =	sand.u32 $0x3FFFE000, s17  }
0x174: {  	s11 =	sadd.s32 $0xC040, s28  }
0x175: {  	v1 =	vld.idx.msk [tilespmem:v0+s11+$0x30 ss:$0x1], $0xffff  }
0x176: {  	v2 =	vld.idx.msk [tilespmem:v0+s11+$0xFFFFFFD0 ss:$0x1], $0xffff  }
0x177: {  	v3 =	vld.idx.msk [tilespmem:v0+s11+$0xFFFFFFE0 ss:$0x1], $0xffff  }
0x178: {  	v4 =	vld.idx.msk [tilespmem:v0+s11+$0xFFFFFFF0 ss:$0x1], $0xffff  }
0x179: {  	v5 =	vld.idx.msk [tilespmem:v0+s11+$0x0 ss:$0x1], $0xffff  }
0x17a: {  	v6 =	vld.idx.msk [tilespmem:v0+s11+$0x10 ss:$0x1], $0xffff  }
0x17b: {  	s13 =	sadd.s32 s7, s28;
	v7 =	vld.idx.msk [tilespmem:v0+s11+$0xFFFFFFC0 ss:$0x1], $0xffff  }
0x17c: {  	[tilespmem:s13+$0x70] =	vst.add.f32.msk $0xffff, v1  }
0x17d: {  	v1 =	vld.idx.msk [tilespmem:v0+s11+$0x20 ss:$0x1], $0xffff  }
0x17e: {  	[tilespmem:s13+$0x10] =	vst.add.f32.msk $0xffff, v2  }
0x17f: {  	[tilespmem:s13+$0x20] =	vst.add.f32.msk $0xffff, v3  }
0x180: {  	[tilespmem:s13+$0x30] =	vst.add.f32.msk $0xffff, v4  }
0x181: {  	[tilespmem:s13+$0x40] =	vst.add.f32.msk $0xffff, v5  }
0x182: {  	[tilespmem:s13+$0x50] =	vst.add.f32.msk $0xffff, v6  }
0x183: {  	[tilespmem:s13+$0x0] =	vst.add.f32.msk $0xffff, v7  }
0x184: {  	s10 =	simm.s32 $0x0;
	s11 =	sadd.s32 $0x400, s11;
	[tilespmem:s13+$0x60] =	vst.add.f32.msk $0xffff, v1  }
.LBB2_28:
0x185: {  	v1 =	vld.idx.msk [tilespmem:v0+s11+$0x30 ss:$0x1], $0xffff;
	s10 =	sadd.s32 $0x8, s10  }
0x186: {  	v2 =	vld.idx.msk [tilespmem:v0+s11+$0xFFFFFFD0 ss:$0x1], $0xffff;
	p0 =	slt.u32 s10, $0x38  }
0x187: {  	v3 =	vld.idx.msk [tilespmem:v0+s11+$0xFFFFFFE0 ss:$0x1], $0xffff  }
0x188: {  	v4 =	vld.idx.msk [tilespmem:v0+s11+$0xFFFFFFF0 ss:$0x1], $0xffff  }
0x189: {  	s28 =	sadd.s32 $0x400, s28;
	v5 =	vld.idx.msk [tilespmem:v0+s11+$0x0 ss:$0x1], $0xffff  }
0x18a: {  	s13 =	sadd.s32 s7, s28;
	v6 =	vld.idx.msk [tilespmem:v0+s11+$0x10 ss:$0x1], $0xffff  }
0x18b: {  	[tilespmem:s13+$0x70] =	vst.add.f32.msk $0xffff, v1  }
0x18c: {  	v1 =	vld.idx.msk [tilespmem:v0+s11+$0x20 ss:$0x1], $0xffff  }
0x18d: {  	v7 =	vld.idx.msk [tilespmem:v0+s11+$0xFFFFFFC0 ss:$0x1], $0xffff  }
0x18e: {  	[tilespmem:s13+$0x10] =	vst.add.f32.msk $0xffff, v2  }
0x18f: {  	[tilespmem:s13+$0x20] =	vst.add.f32.msk $0xffff, v3  }
.Ltmp12:
0x190: {  	[tilespmem:s13+$0x30] =	vst.add.f32.msk $0xffff, v4;
	(pc) =	sbr.rel @p0 .LBB2_28-.Ltmp12, $4  }
0x191: {  	[tilespmem:s13+$0x40] =	vst.add.f32.msk $0xffff, v5  }
0x192: {  	[tilespmem:s13+$0x50] =	vst.add.f32.msk $0xffff, v6  }
0x193: {  	[tilespmem:s13+$0x0] =	vst.add.f32.msk $0xffff, v7  }
0x194: {  	s11 =	sadd.s32 $0x400, s11;
	[tilespmem:s13+$0x60] =	vst.add.f32.msk $0xffff, v1  }
0x195: {  	s19 =	sadd.s32 $0x1, s19  }
0x196: {  	p0 =	sne.s32 s19, $0x10  }
.Ltmp13:
0x197: {  	_ = 	snop;
	(pc) =	sbr.rel @p0 .LBB2_27-.Ltmp13, $2  }
0x198: {  	_ =	sdelay $0x2  }
0x199: {  	s3 =	sadd.s32 $0x1, s3;
	s17 =	sadd.s32 $0x400, s17  }
0x19a: {  	s0 =	sadd.s32 s4, s0;
	p0 =	sgt.u32 s30, $0x6  }
0x19b: {  	[hbm4b:s0+s5] =	stream.linear.scatter [tilespmem:s5], [sflag:$0x5], $0x4000, $0x38;
	[tilespmem:$0x10000] =	vst v63  }
0x19c: {  	s0 =	simm.s32 @!p0 $0x5  }
0x19d: {  	_ =	swait.ge @!p0 [sflag:s0], $0x4000  }
0x19e: {  	s2 =	sshll.u32 @!p0 s2, $0xB;
	[sflag:s0] =	ssyncset.done @!p0 $0x0  }
0x19f: {  	[sflag:s0] =	ssyncadd.s32 @!p0 $0xFFFFC000;
	s0 =	sadd.s32 @!p0 s2, s8;
	s2 =	simm.s32 @!p0 $0x0  }
0x1a0: {  	[tilespmem:s2], [sflag:$0x1] =	stream.linear.gather @!p0 [hbm4b:s0+s2], $0x4000, $0x38;
	[tilespmem:$0x10000] =	vst v63  }
0x1a1: {  	_ =	swait.ge [sflag:s24], $0x4000  }
0x1a2: {  	s3 =	simm.s32 $0x0;
	[sflag:s24] =	ssyncset.done $0x0  }
0x1a3: {  	s0 =	simm.s32 $0x0;
	s2 =	simm.s32 $0x0;
	[sflag:s24] =	ssyncadd.s32 $0xFFFFC000  }
.LBB2_31:
0x1a4: {  	s7 =	sand.u32 $0x7, s2  }
0x1a5: {  	s7 =	sshll.u32 s7, $0x9  }
0x1a6: {  	s7 =	sshrl.u32 s7, $0x2  }
0x1a7: {  	v0 =	vmov s7;
	_ =	sdelay $0x2  }
0x1a8: {  	s10 =	sand.u32 $0x3FFFE000, s0  }
0x1a9: {  	s13 =	sadd.s32 $0xC040, s10  }
0x1aa: {  	v1 =	vld.idx.msk [tilespmem:v0+s13+$0x30 ss:$0x1], $0xffff  }
0x1ab: {  	v2 =	vld.idx.msk [tilespmem:v0+s13+$0xFFFFFFD0 ss:$0x1], $0xffff  }
0x1ac: {  	v3 =	vld.idx.msk [tilespmem:v0+s13+$0xFFFFFFE0 ss:$0x1], $0xffff  }
0x1ad: {  	v4 =	vld.idx.msk [tilespmem:v0+s13+$0xFFFFFFF0 ss:$0x1], $0xffff  }
0x1ae: {  	v5 =	vld.idx.msk [tilespmem:v0+s13+$0x0 ss:$0x1], $0xffff  }
0x1af: {  	s10 =	sadd.s32 $0x4000, s10;
	v6 =	vld.idx.msk [tilespmem:v0+s13+$0x10 ss:$0x1], $0xffff  }
0x1b0: {  	s16 =	sadd.s32 s7, s10;
	v7 =	vld.idx.msk [tilespmem:v0+s13+$0xFFFFFFC0 ss:$0x1], $0xffff  }
0x1b1: {  	[tilespmem:s16+$0x70] =	vst.add.f32.msk $0xffff, v1  }
0x1b2: {  	v1 =	vld.idx.msk [tilespmem:v0+s13+$0x20 ss:$0x1], $0xffff  }
0x1b3: {  	[tilespmem:s16+$0x10] =	vst.add.f32.msk $0xffff, v2  }
0x1b4: {  	[tilespmem:s16+$0x20] =	vst.add.f32.msk $0xffff, v3  }
0x1b5: {  	[tilespmem:s16+$0x30] =	vst.add.f32.msk $0xffff, v4  }
0x1b6: {  	[tilespmem:s16+$0x40] =	vst.add.f32.msk $0xffff, v5  }
0x1b7: {  	[tilespmem:s16+$0x50] =	vst.add.f32.msk $0xffff, v6  }
0x1b8: {  	[tilespmem:s16+$0x0] =	vst.add.f32.msk $0xffff, v7  }
0x1b9: {  	s11 =	simm.s32 $0x0;
	s13 =	sadd.s32 $0x400, s13;
	[tilespmem:s16+$0x60] =	vst.add.f32.msk $0xffff, v1  }
.LBB2_32:
0x1ba: {  	v1 =	vld.idx.msk [tilespmem:v0+s13+$0x30 ss:$0x1], $0xffff;
	s11 =	sadd.s32 $0x8, s11  }
0x1bb: {  	v2 =	vld.idx.msk [tilespmem:v0+s13+$0xFFFFFFD0 ss:$0x1], $0xffff;
	p0 =	slt.u32 s11, $0x38  }
0x1bc: {  	v3 =	vld.idx.msk [tilespmem:v0+s13+$0xFFFFFFE0 ss:$0x1], $0xffff  }
0x1bd: {  	v4 =	vld.idx.msk [tilespmem:v0+s13+$0xFFFFFFF0 ss:$0x1], $0xffff  }
0x1be: {  	s10 =	sadd.s32 $0x400, s10;
	v5 =	vld.idx.msk [tilespmem:v0+s13+$0x0 ss:$0x1], $0xffff  }
0x1bf: {  	s16 =	sadd.s32 s7, s10;
	v6 =	vld.idx.msk [tilespmem:v0+s13+$0x10 ss:$0x1], $0xffff  }
0x1c0: {  	[tilespmem:s16+$0x70] =	vst.add.f32.msk $0xffff, v1  }
0x1c1: {  	v1 =	vld.idx.msk [tilespmem:v0+s13+$0x20 ss:$0x1], $0xffff  }
0x1c2: {  	v7 =	vld.idx.msk [tilespmem:v0+s13+$0xFFFFFFC0 ss:$0x1], $0xffff  }
0x1c3: {  	[tilespmem:s16+$0x10] =	vst.add.f32.msk $0xffff, v2  }
0x1c4: {  	[tilespmem:s16+$0x20] =	vst.add.f32.msk $0xffff, v3  }
.Ltmp14:
0x1c5: {  	[tilespmem:s16+$0x30] =	vst.add.f32.msk $0xffff, v4;
	(pc) =	sbr.rel @p0 .LBB2_32-.Ltmp14, $4  }
0x1c6: {  	[tilespmem:s16+$0x40] =	vst.add.f32.msk $0xffff, v5  }
0x1c7: {  	[tilespmem:s16+$0x50] =	vst.add.f32.msk $0xffff, v6  }
0x1c8: {  	[tilespmem:s16+$0x0] =	vst.add.f32.msk $0xffff, v7  }
0x1c9: {  	s13 =	sadd.s32 $0x400, s13;
	[tilespmem:s16+$0x60] =	vst.add.f32.msk $0xffff, v1  }
0x1ca: {  	s3 =	sadd.s32 $0x1, s3  }
0x1cb: {  	p0 =	sne.s32 s3, $0x10  }
.Ltmp15:
0x1cc: {  	_ = 	snop;
	(pc) =	sbr.rel @p0 .LBB2_31-.Ltmp15, $2  }
0x1cd: {  	_ =	sdelay $0x2  }
0x1ce: {  	s2 =	sadd.s32 $0x1, s2;
	s0 =	sadd.s32 $0x400, s0  }
0x1cf: {  	s29 =	sadd.s32 $0x1, s29  }
0x1d0: {  	p0 =	sne.s32 s29, $0x4  }
.Ltmp16:
0x1d1: {  	_ = 	snop;
	(pc) =	sbr.rel @p0 .LBB2_2-.Ltmp16, $3  }
0x1d2: {  	_ =	sdelay $0x1  }
0x1d3: {  	s0 =	sadd.s32 s4, s18  }
0x1d4: {  	[hbm4b:s0+s5] =	stream.linear.scatter [tilespmem:s21], [sflag:$0x6], $0x4000, $0x38;
	[tilespmem:$0x10000] =	vst v63  }
0x1d5: {  	_ =	swait.ge [sflag:s23], $0x4000  }
0x1d6: {  	[sflag:s23] =	ssyncset.done $0x0  }
0x1d7: {  	[sflag:s23] =	ssyncadd.s32 $0xFFFFC000  }
0x1d8: {  	_ =	swait.ge [sflag:s25], $0x4000  }
0x1d9: {  	s2 =	rddreg [dreg:$0xa]  }
0x1da: {  	s0 =	rddreg [dreg:$0x9];
	s2 =	sadd.s32 $0x1, s2  }
0x1db: {  	p0 =	sne.s32 s2, s0  }
.Ltmp17:
0x1dc: {  	_ = 	snop;
	(pc) =	sbr.rel @p0 .LBB2_1-.Ltmp17, $3  }
0x1dd: {  	_ =	sdelay $0x1  }
0x1de: {  	[sflag:s25] =	ssyncset.done $0x0  }
0x1df: {  	[sflag:s25] =	ssyncadd.s32 $0xFFFFC000  }
0x1e0: {  	_ =	sfence.sel $0x180000  }
0x1e1: {  	[bflag:$0x0] =	sbarrier.arrive $0xFFFF  }
0x1e2: {  	_ =	strace $0x90000047  }
0x1e3: {  	s0 =	stileid.u32;
	[bflag:$0x2] =	sbarrier.arrive $0xFFFF  }
0x1e4: {  	p0 =	sne.s32 s0, $0x0;
	s0 =	rddreg [dreg:$0x3]  }
0x1e5: {  	s0 =	sadd.s32 @!p0 $0x100000, s0  }
0x1e6: {  	[sflag:s0] =	ssyncadd.tile.s32 @!p0 $0x1;
	_ =	shalt  }
.Lfunc_end2:
_tile_overlayer_lowered:
.L_overlay_start_2:
0x1e7: {  	(tag) =	ssettag $0x2  }
0x1e8: {  	s0 =	rddreg [dreg:$0x0];
	s2 =	stileid.u32  }
0x1e9: {  	s1 =	rddreg [dreg:$0x1];
	p0 =	sne.s32 s2, $0x0  }
0x1ea: {  	s3 =	rddreg [dreg:$0x2];
	[bflag:$0x3] =	sbarrier.arrive $0xFFFF;
	s2 =	simm.s32 @!p0 $0x1C07  }
0x1eb: {  	[timem:s3], [sflag:s2] =	dma.local @!p0 [hbm:s0], s1  }
0x1ec: {  	s0 =	simm.s32 @!p0 $0x7  }
0x1ed: {  	_ =	swait.ge @!p0 [sflag:s0], s1  }
0x1ee: {  	s1 =	ssub.s32 @!p0 $0x0, s1;
	[sflag:s0] =	ssyncset.done @!p0 $0x0  }
0x1ef: {  	[sflag:s0] =	ssyncadd.s32 @!p0 s1  }
0x1f0: {  	[bflag:$0x3] =	sbarrier.arrive $0xFFFF  }
0x1f1: {  	_ =	shalt  }

</sc_bundles>
